<compile_context>
chip_gen: v7x
topology: tpu7x:2x2x1
jax: 0.10.2.dev20260603
libtpu: 0.0.44.dev20260713+nightly
codegen_flags: <defaults>
</compile_context>

<pallas_src>
import functools

import jax
import jax.numpy as jnp
from jax import lax
from jax.experimental import pallas as pl
from jax.experimental.pallas import tpu as pltpu
from jax.experimental.pallas import tpu_sc as plsc

NC = 2
NS = 16
NW = NC * NS

G = 80
GPC = 5
CH = G * GPC

BCOLS = 2688


@functools.lru_cache(maxsize=None)
def _build_tc_pair(s, d, dtype):
    nb = s // BCOLS
    off = s // BCOLS

    def tck(in1_ref, in2_ref, tail_ref, eye_ref, out_ref):
        i = pl.program_id(0)

        @pl.when(i < nb)
        def _():
            dn = (((0,), (0,)), ((), ()))
            a = jax.lax.dot_general(
                in1_ref[...], eye_ref[...][:, : 2 * d], dn,
                preferred_element_type=dtype,
            )
            b = jax.lax.dot_general(
                in2_ref[...], eye_ref[...][:, 2 * d :], dn,
                preferred_element_type=dtype,
            )
            out_ref[...] = a + b

        @pl.when(i == nb)
        def _():
            out_ref[...] = jnp.concatenate(
                [tail_ref[...], jnp.zeros((BCOLS - 32, 2 * d), dtype)], axis=0
            )

    return pl.pallas_call(
        tck,
        grid=(nb + 1,),
        in_specs=[
            pl.BlockSpec((d, BCOLS), lambda i: (0, jnp.minimum(i, nb - 1))),
            pl.BlockSpec((d, BCOLS), lambda i: (0, jnp.minimum(i, nb - 1) + off)),
            pl.BlockSpec((32, 2 * d), lambda i: (0, 0)),
            pl.BlockSpec((d, 4 * d), lambda i: (0, 0)),
        ],
        out_specs=pl.BlockSpec((BCOLS, 2 * d), lambda i: (i, 0)),
        out_shape=jax.ShapeDtypeStruct((s + BCOLS, 2 * d), dtype),
    )


@functools.lru_cache(maxsize=None)
def _build_emb(n, s, t, dtype):
    per_w = n // NW
    nch = per_w // CH
    oh = CH // 2

    mesh = plsc.VectorSubcoreMesh(core_axis_name="c", subcore_axis_name="s")

    @functools.partial(
        pl.kernel,
        mesh=mesh,
        out_type=jax.ShapeDtypeStruct((n // 2, 128), dtype),
        scratch_types=[
            pltpu.VMEM((per_w,), jnp.int32),
            pltpu.VMEM((per_w,), jnp.int32),
            pltpu.VMEM((per_w,), jnp.int32),
            pltpu.VMEM((CH, 128), dtype),
            pltpu.VMEM((oh, 128), dtype),
            pltpu.SemaphoreType.DMA,
        ],
        compiler_params=pltpu.CompilerParams(needs_layout_passes=False),
    )
    def emb(
        idx_hbm, tab2_hbm, out_hbm,
        idx_v, pidx_v, c0_v, pairs_v, outb_v, gsem,
    ):
        wid = lax.axis_index("s") * NC + lax.axis_index("c")
        base = wid * per_w
        obase = wid * (per_w // 2)
        pltpu.sync_copy(idx_hbm.at[pl.ds(base, per_w)], idx_v)

        def mk_pidx(i, carry):
            v = idx_v[pl.ds(i * 16, 16)]
            is_tail = v >= t
            is_hi = (v >= s) & (v < t)
            ptail = s + jax.lax.shift_right_logical(v - t, 1)
            pmain = v - jnp.where(is_hi, s, 0)
            pidx_v[pl.ds(i * 16, 16)] = jnp.where(is_tail, ptail, pmain)
            c0_v[pl.ds(i * 16, 16)] = jnp.where(
                is_tail, (v & 1) * 64, jnp.where(is_hi, 64, 0)
            )
            return carry

        lax.fori_loop(0, per_w // 16, mk_pidx, 0)

        def chunk(c, carry):
            off = c * CH
            handles = [
                pltpu.async_copy(
                    tab2_hbm.at[pidx_v.at[pl.ds(off + g * G, G)]],
                    pairs_v.at[pl.ds(g * G, G)],
                    gsem,
                )
                for g in range(GPC)
            ]
            for h in handles:
                h.wait()

            def select(i, carry2):
                hv = c0_v[pl.ds(off + i * 16, 16)]
                for k in range(16):
                    c0 = hv[k]
                    for v in range(4):
                        outb_v[
                            i * 8 + k // 2, pl.ds((k % 2) * 64 + v * 16, 16)
                        ] = pairs_v[i * 16 + k, pl.ds(c0 + v * 16, 16)]
                return carry2

            lax.fori_loop(0, CH // 16, select, 0)
            pltpu.sync_copy(outb_v, out_hbm.at[pl.ds(obase + c * oh, oh)])
            return carry

        lax.fori_loop(0, nch, chunk, 0)

    return emb


def kernel(indices, table):
    b, sq = indices.shape
    vocab, d = table.shape
    n = b * sq
    s = ((vocab // 2) // 128) * 128
    t = 2 * s
    flat = indices.reshape(-1)
    tabt = table.T
    tail = table[t:].reshape(-1, 2 * d)
    eye2 = jnp.concatenate(
        [
            jnp.concatenate([jnp.eye(d), jnp.zeros((d, d))], axis=1),
            jnp.concatenate([jnp.zeros((d, d)), jnp.eye(d)], axis=1),
        ],
        axis=1,
    ).astype(table.dtype)
    tab2 = _build_tc_pair(s, d, table.dtype)(tabt, tabt, tail, eye2)
    out = _build_emb(n, s, t, table.dtype)(flat, tab2)
    return out.reshape(b, sq, d)

# --- scband reference (transcript-rebuilt; emitter-appended) ---
"""Pipeline reference for scband-embedder-32908039422115 (READ-ONLY COPY).

The authoritative reference and input builder live on the scoring server;
editing this copy changes nothing except your own understanding.
"""

import jax, jax.numpy as jnp
import numpy as np

VOCAB = 1000000
D_MODEL = 64
BATCH = 4096
SEQ = 50

def setup_inputs(seed: int = 0) -> dict:
    key = jax.random.key(seed)
    k_idx, k_tab = jax.random.split(key)
    indices = jax.random.randint(k_idx, (BATCH, SEQ), 0, VOCAB, dtype=jnp.int32)
    # Embedding table parameter (nn.Embedding weight), N(0,1) init like torch default
    table = jax.random.normal(k_tab, (VOCAB, D_MODEL), dtype=jnp.float32)
    return {"indices": indices, "table": table}

def reference(indices, table):
    # Embedder.forward core: embedding lookup of token indices
    # (tokenization/vocab mapping is string preprocessing; the tensor op is the gather)
    return jnp.take(table, indices, axis=0)

if __name__ == "__main__":
    import jax
    _d = setup_inputs()
    print(jax.jit(kernel)(*tuple(_d.values())))

</pallas_src>

<mosaic_0001>
#map = affine_map<(d0, d1) -> (0)>
#map1 = affine_map<(d0, d1) -> (0, 0)>
module attributes {stable_mosaic.version = 14 : i64} {
  func.func @emb(%arg0: i32, %arg1: i32, %arg2: memref<204800xi32, #tpu.memory_space<hbm>>, %arg3: memref<502656x128xf32, #tpu.memory_space<hbm>>, %arg4: memref<102400x128xf32, #tpu.memory_space<hbm>>, %arg5: memref<6400xi32, #tpu.memory_space<vmem>>, %arg6: memref<6400xi32, #tpu.memory_space<vmem>>, %arg7: memref<6400xi32, #tpu.memory_space<vmem>>, %arg8: memref<400x128xf32, #tpu.memory_space<vmem>>, %arg9: memref<200x128xf32, #tpu.memory_space<vmem>>, %arg10: memref<!tpu.dma_semaphore, #tpu.memory_space<semaphore_mem>>) attributes {dimension_semantics = [#tpu.dimension_semantics<core_parallel>, #tpu.dimension_semantics<subcore_parallel>], iteration_bounds = array<i64: 2, 16>, scalar_prefetch = 0 : i64, scratch_operands = 6 : i64, tpu.core_type = #tpu.core_type<sc_vector_subcore>, window_params = [{transform_indices = #map}, {transform_indices = #map1}, {transform_indices = #map1}]} {
    %mul3A = arith.constant 2 : i32
    %mul3A_0 = arith.muli %arg1, %mul3A : i32
    %add3A = arith.addi %mul3A_0, %arg0 : i32
    %mul3A_1 = arith.constant 6400 : i32
    %mul3A_2 = arith.muli %add3A, %mul3A_1 : i32
    %mul3A_3 = arith.constant 3200 : i32
    %mul3A_4 = arith.muli %add3A, %mul3A_3 : i32
    "tpu.region"() ({
      %run_scoped3A = tpu.sem_alloc : memref<!tpu.dma_semaphore, #tpu.memory_space<semaphore_mem>>
      %dma_start3A = tpu.memref_slice %arg2[%mul3A_2] : memref<204800xi32, #tpu.memory_space<hbm>> -> memref<6400xi32, #tpu.memory_space<hbm>>
      %dma_start3A_16 = tpu.memref_slice %arg2[%mul3A_2] : memref<204800xi32, #tpu.memory_space<hbm>> -> memref<6400xi32, #tpu.memory_space<hbm>>
      tpu.enqueue_dma source(%dma_start3A_16 : memref<6400xi32, #tpu.memory_space<hbm>>) target(%arg5 : memref<6400xi32, #tpu.memory_space<vmem>>) target_semaphore(%run_scoped3A : memref<!tpu.dma_semaphore, #tpu.memory_space<semaphore_mem>>)
      %dma_wait3A = tpu.memref_slice %arg2[%mul3A_2] : memref<204800xi32, #tpu.memory_space<hbm>> -> memref<6400xi32, #tpu.memory_space<hbm>>
      %dma_wait3A_17 = tpu.memref_slice %arg2[%mul3A_2] : memref<204800xi32, #tpu.memory_space<hbm>> -> memref<6400xi32, #tpu.memory_space<hbm>>
      tpu.wait_dma2 semaphore(%run_scoped3A : memref<!tpu.dma_semaphore, #tpu.memory_space<semaphore_mem>>) src(%dma_wait3A_17 : memref<6400xi32, #tpu.memory_space<hbm>>) dst(%arg5 : memref<6400xi32, #tpu.memory_space<vmem>>)
      tpu.yield
    }) : () -> ()
    %scan3A = arith.constant 0 : i32
    %scan3A_5 = arith.constant 0 : i32
    %scan3A_6 = arith.constant 400 : i32
    %scan3A_7 = arith.addi %scan3A_5, %scan3A_6 : i32
    %scan3A_8 = arith.constant 1 : i32
    scf.for %scan3A_16 = %scan3A_5 to %scan3A_7 step %scan3A_8  : i32 {
      %mul3A_17 = arith.constant 16 : i32
      %mul3A_18 = arith.muli %scan3A_16, %mul3A_17 : i32
      %get3A = arith.index_cast %mul3A_18 : i32 to index
      %get3A_19 = tpu.vector_load %arg5[%get3A] {strides = array<i32>} : memref<6400xi32, #tpu.memory_space<vmem>>, vector<16xi32>,
      %ge3A = arith.constant 999936 : i32
      %ge3A_20 = vector.broadcast %ge3A : i32 to vector<16xi32>
      %ge3A_21 = arith.cmpi sge, %get3A_19, %ge3A_20 : vector<16xi32>
      %ge3A_22 = arith.constant 499968 : i32
      %ge3A_23 = vector.broadcast %ge3A_22 : i32 to vector<16xi32>
      %ge3A_24 = arith.cmpi sge, %get3A_19, %ge3A_23 : vector<16xi32>
      %lt3A = arith.constant 999936 : i32
      %lt3A_25 = vector.broadcast %lt3A : i32 to vector<16xi32>
      %lt3A_26 = arith.cmpi slt, %get3A_19, %lt3A_25 : vector<16xi32>
      %and3A = arith.andi %ge3A_24, %lt3A_26 : vector<16xi1>
      %sub3A = arith.constant 999936 : i32
      %sub3A_27 = vector.broadcast %sub3A : i32 to vector<16xi32>
      %sub3A_28 = arith.subi %get3A_19, %sub3A_27 : vector<16xi32>
      %shift_right_logical3A = arith.constant 1 : i32
      %shift_right_logical3A_29 = vector.broadcast %shift_right_logical3A : i32 to vector<16xi32>
      %shift_right_logical3A_30 = arith.shrui %sub3A_28, %shift_right_logical3A_29 : vector<16xi32>
      %add3A_31 = arith.constant 499968 : i32
      %add3A_32 = vector.broadcast %add3A_31 : i32 to vector<16xi32>
      %add3A_33 = arith.addi %add3A_32, %shift_right_logical3A_30 : vector<16xi32>
      %jit3A = arith.constant 499968 : i32
      %jit3A_34 = arith.constant 0 : i32
      %broadcast_in_dim3A = vector.broadcast %jit3A : i32 to vector<16xi32>
      %broadcast_in_dim3A_35 = vector.broadcast %jit3A_34 : i32 to vector<16xi32>
      %select_n3A = arith.select %and3A, %broadcast_in_dim3A, %broadcast_in_dim3A_35 : vector<16xi1>, vector<16xi32>
      %sub3A_36 = arith.subi %get3A_19, %select_n3A : vector<16xi32>
      %select_n3A_37 = arith.select %ge3A_21, %add3A_33, %sub3A_36 : vector<16xi1>, vector<16xi32>
      %mul3A_38 = arith.constant 16 : i32
      %mul3A_39 = arith.muli %scan3A_16, %mul3A_38 : i32
      %swap3A = arith.index_cast %mul3A_39 : i32 to index
      %swap3A_40 = tpu.vector_load %arg6[%swap3A] {strides = array<i32>} : memref<6400xi32, #tpu.memory_space<vmem>>, vector<16xi32>,
      tpu.vector_store %arg6[%swap3A], %select_n3A_37 {strides = array<i32>} : memref<6400xi32, #tpu.memory_space<vmem>>, vector<16xi32>,
      %and3A_41 = arith.constant 1 : i32
      %and3A_42 = vector.broadcast %and3A_41 : i32 to vector<16xi32>
      %and3A_43 = arith.andi %get3A_19, %and3A_42 : vector<16xi32>
      %mul3A_44 = arith.constant 64 : i32
      %mul3A_45 = vector.broadcast %mul3A_44 : i32 to vector<16xi32>
      %mul3A_46 = arith.muli %and3A_43, %mul3A_45 : vector<16xi32>
      %jit3A_47 = arith.constant 64 : i32
      %jit3A_48 = arith.constant 0 : i32
      %broadcast_in_dim3A_49 = vector.broadcast %jit3A_47 : i32 to vector<16xi32>
      %broadcast_in_dim3A_50 = vector.broadcast %jit3A_48 : i32 to vector<16xi32>
      %select_n3A_51 = arith.select %and3A, %broadcast_in_dim3A_49, %broadcast_in_dim3A_50 : vector<16xi1>, vector<16xi32>
      %select_n3A_52 = arith.select %ge3A_21, %mul3A_46, %select_n3A_51 : vector<16xi1>, vector<16xi32>
      %mul3A_53 = arith.constant 16 : i32
      %mul3A_54 = arith.muli %scan3A_16, %mul3A_53 : i32
      %swap3A_55 = arith.index_cast %mul3A_54 : i32 to index
      %swap3A_56 = tpu.vector_load %arg7[%swap3A_55] {strides = array<i32>} : memref<6400xi32, #tpu.memory_space<vmem>>, vector<16xi32>,
      tpu.vector_store %arg7[%swap3A_55], %select_n3A_52 {strides = array<i32>} : memref<6400xi32, #tpu.memory_space<vmem>>, vector<16xi32>,
    }
    %scan3A_9 = arith.constant 400 : i32
    %scan3A_10 = arith.constant 0 : i32
    %scan3A_11 = arith.constant 0 : i32
    %scan3A_12 = arith.constant 16 : i32
    %scan3A_13 = arith.addi %scan3A_11, %scan3A_12 : i32
    %scan3A_14 = arith.constant 1 : i32
    scf.for %scan3A_16 = %scan3A_11 to %scan3A_13 step %scan3A_14  : i32 {
      %mul3A_17 = arith.constant 400 : i32
      %mul3A_18 = arith.muli %scan3A_16, %mul3A_17 : i32
      %add3A_19 = arith.constant 0 : i32
      %add3A_20 = arith.addi %mul3A_18, %add3A_19 : i32
      %dma_start3A = arith.constant 0 : i32
      %dma_start3A_21 = arith.constant 0 : i32
      %dma_start3A_22 = tpu.memref_slice %arg8[%dma_start3A, %dma_start3A_21] : memref<400x128xf32, #tpu.memory_space<vmem>> -> memref<80x128xf32, #tpu.memory_space<vmem>>
      %dma_start3A_23 = tpu.memref_slice %arg6[%add3A_20] : memref<6400xi32, #tpu.memory_space<vmem>> -> memref<80xi32, #tpu.memory_space<vmem>>
      %dma_start3A_24 = arith.constant 0 : i32
      %dma_start3A_25 = arith.constant 0 : i32
      %dma_start3A_26 = tpu.memref_slice %arg3[%dma_start3A_24, %dma_start3A_25] : memref<502656x128xf32, #tpu.memory_space<hbm>> -> memref<502656x128xf32, #tpu.memory_space<hbm>>
      tpu.enqueue_indirect_dma source(%dma_start3A_26 : memref<502656x128xf32, #tpu.memory_space<hbm>>) target(%dma_start3A_22 : memref<80x128xf32, #tpu.memory_space<vmem>>) offsets(%dma_start3A_23 : memref<80xi32, #tpu.memory_space<vmem>>) semaphore(%arg10 : memref<!tpu.dma_semaphore, #tpu.memory_space<semaphore_mem>>)
      %add3A_27 = arith.constant 80 : i32
      %add3A_28 = arith.addi %mul3A_18, %add3A_27 : i32
      %dma_start3A_29 = arith.constant 80 : i32
      %dma_start3A_30 = arith.constant 0 : i32
      %dma_start3A_31 = tpu.memref_slice %arg8[%dma_start3A_29, %dma_start3A_30] : memref<400x128xf32, #tpu.memory_space<vmem>> -> memref<80x128xf32, #tpu.memory_space<vmem>>
      %dma_start3A_32 = tpu.memref_slice %arg6[%add3A_28] : memref<6400xi32, #tpu.memory_space<vmem>> -> memref<80xi32, #tpu.memory_space<vmem>>
      %dma_start3A_33 = arith.constant 0 : i32
      %dma_start3A_34 = arith.constant 0 : i32
      %dma_start3A_35 = tpu.memref_slice %arg3[%dma_start3A_33, %dma_start3A_34] : memref<502656x128xf32, #tpu.memory_space<hbm>> -> memref<502656x128xf32, #tpu.memory_space<hbm>>
      tpu.enqueue_indirect_dma source(%dma_start3A_35 : memref<502656x128xf32, #tpu.memory_space<hbm>>) target(%dma_start3A_31 : memref<80x128xf32, #tpu.memory_space<vmem>>) offsets(%dma_start3A_32 : memref<80xi32, #tpu.memory_space<vmem>>) semaphore(%arg10 : memref<!tpu.dma_semaphore, #tpu.memory_space<semaphore_mem>>)
      %add3A_36 = arith.constant 160 : i32
      %add3A_37 = arith.addi %mul3A_18, %add3A_36 : i32
      %dma_start3A_38 = arith.constant 160 : i32
      %dma_start3A_39 = arith.constant 0 : i32
      %dma_start3A_40 = tpu.memref_slice %arg8[%dma_start3A_38, %dma_start3A_39] : memref<400x128xf32, #tpu.memory_space<vmem>> -> memref<80x128xf32, #tpu.memory_space<vmem>>
      %dma_start3A_41 = tpu.memref_slice %arg6[%add3A_37] : memref<6400xi32, #tpu.memory_space<vmem>> -> memref<80xi32, #tpu.memory_space<vmem>>
      %dma_start3A_42 = arith.constant 0 : i32
      %dma_start3A_43 = arith.constant 0 : i32
      %dma_start3A_44 = tpu.memref_slice %arg3[%dma_start3A_42, %dma_start3A_43] : memref<502656x128xf32, #tpu.memory_space<hbm>> -> memref<502656x128xf32, #tpu.memory_space<hbm>>
      tpu.enqueue_indirect_dma source(%dma_start3A_44 : memref<502656x128xf32, #tpu.memory_space<hbm>>) target(%dma_start3A_40 : memref<80x128xf32, #tpu.memory_space<vmem>>) offsets(%dma_start3A_41 : memref<80xi32, #tpu.memory_space<vmem>>) semaphore(%arg10 : memref<!tpu.dma_semaphore, #tpu.memory_space<semaphore_mem>>)
      %add3A_45 = arith.constant 240 : i32
      %add3A_46 = arith.addi %mul3A_18, %add3A_45 : i32
      %dma_start3A_47 = arith.constant 240 : i32
      %dma_start3A_48 = arith.constant 0 : i32
      %dma_start3A_49 = tpu.memref_slice %arg8[%dma_start3A_47, %dma_start3A_48] : memref<400x128xf32, #tpu.memory_space<vmem>> -> memref<80x128xf32, #tpu.memory_space<vmem>>
      %dma_start3A_50 = tpu.memref_slice %arg6[%add3A_46] : memref<6400xi32, #tpu.memory_space<vmem>> -> memref<80xi32, #tpu.memory_space<vmem>>
      %dma_start3A_51 = arith.constant 0 : i32
      %dma_start3A_52 = arith.constant 0 : i32
      %dma_start3A_53 = tpu.memref_slice %arg3[%dma_start3A_51, %dma_start3A_52] : memref<502656x128xf32, #tpu.memory_space<hbm>> -> memref<502656x128xf32, #tpu.memory_space<hbm>>
      tpu.enqueue_indirect_dma source(%dma_start3A_53 : memref<502656x128xf32, #tpu.memory_space<hbm>>) target(%dma_start3A_49 : memref<80x128xf32, #tpu.memory_space<vmem>>) offsets(%dma_start3A_50 : memref<80xi32, #tpu.memory_space<vmem>>) semaphore(%arg10 : memref<!tpu.dma_semaphore, #tpu.memory_space<semaphore_mem>>)
      %add3A_54 = arith.constant 320 : i32
      %add3A_55 = arith.addi %mul3A_18, %add3A_54 : i32
      %dma_start3A_56 = arith.constant 320 : i32
      %dma_start3A_57 = arith.constant 0 : i32
      %dma_start3A_58 = tpu.memref_slice %arg8[%dma_start3A_56, %dma_start3A_57] : memref<400x128xf32, #tpu.memory_space<vmem>> -> memref<80x128xf32, #tpu.memory_space<vmem>>
      %dma_start3A_59 = tpu.memref_slice %arg6[%add3A_55] : memref<6400xi32, #tpu.memory_space<vmem>> -> memref<80xi32, #tpu.memory_space<vmem>>
      %dma_start3A_60 = arith.constant 0 : i32
      %dma_start3A_61 = arith.constant 0 : i32
      %dma_start3A_62 = tpu.memref_slice %arg3[%dma_start3A_60, %dma_start3A_61] : memref<502656x128xf32, #tpu.memory_space<hbm>> -> memref<502656x128xf32, #tpu.memory_space<hbm>>
      tpu.enqueue_indirect_dma source(%dma_start3A_62 : memref<502656x128xf32, #tpu.memory_space<hbm>>) target(%dma_start3A_58 : memref<80x128xf32, #tpu.memory_space<vmem>>) offsets(%dma_start3A_59 : memref<80xi32, #tpu.memory_space<vmem>>) semaphore(%arg10 : memref<!tpu.dma_semaphore, #tpu.memory_space<semaphore_mem>>)
      %dma_wait3A = arith.constant 0 : i32
      %dma_wait3A_63 = arith.constant 0 : i32
      %dma_wait3A_64 = tpu.memref_slice %arg8[%dma_wait3A, %dma_wait3A_63] : memref<400x128xf32, #tpu.memory_space<vmem>> -> memref<80x128xf32, #tpu.memory_space<vmem>>
      %dma_wait3A_65 = tpu.memref_slice %arg6[%add3A_20] : memref<6400xi32, #tpu.memory_space<vmem>> -> memref<80xi32, #tpu.memory_space<vmem>>
      %dma_wait3A_66 = arith.constant 0 : i32
      %dma_wait3A_67 = arith.constant 0 : i32
      %dma_wait3A_68 = tpu.memref_slice %arg3[%dma_wait3A_66, %dma_wait3A_67] : memref<502656x128xf32, #tpu.memory_space<hbm>> -> memref<502656x128xf32, #tpu.memory_space<hbm>>
      tpu.wait_indirect_dma semaphore(%arg10 : memref<!tpu.dma_semaphore, #tpu.memory_space<semaphore_mem>>) src(%dma_wait3A_68 : memref<502656x128xf32, #tpu.memory_space<hbm>>) dst(%dma_wait3A_64 : memref<80x128xf32, #tpu.memory_space<vmem>>)
      %dma_wait3A_69 = arith.constant 80 : i32
      %dma_wait3A_70 = arith.constant 0 : i32
      %dma_wait3A_71 = tpu.memref_slice %arg8[%dma_wait3A_69, %dma_wait3A_70] : memref<400x128xf32, #tpu.memory_space<vmem>> -> memref<80x128xf32, #tpu.memory_space<vmem>>
      %dma_wait3A_72 = tpu.memref_slice %arg6[%add3A_28] : memref<6400xi32, #tpu.memory_space<vmem>> -> memref<80xi32, #tpu.memory_space<vmem>>
      %dma_wait3A_73 = arith.constant 0 : i32
      %dma_wait3A_74 = arith.constant 0 : i32
      %dma_wait3A_75 = tpu.memref_slice %arg3[%dma_wait3A_73, %dma_wait3A_74] : memref<502656x128xf32, #tpu.memory_space<hbm>> -> memref<502656x128xf32, #tpu.memory_space<hbm>>
      tpu.wait_indirect_dma semaphore(%arg10 : memref<!tpu.dma_semaphore, #tpu.memory_space<semaphore_mem>>) src(%dma_wait3A_75 : memref<502656x128xf32, #tpu.memory_space<hbm>>) dst(%dma_wait3A_71 : memref<80x128xf32, #tpu.memory_space<vmem>>)
      %dma_wait3A_76 = arith.constant 160 : i32
      %dma_wait3A_77 = arith.constant 0 : i32
      %dma_wait3A_78 = tpu.memref_slice %arg8[%dma_wait3A_76, %dma_wait3A_77] : memref<400x128xf32, #tpu.memory_space<vmem>> -> memref<80x128xf32, #tpu.memory_space<vmem>>
      %dma_wait3A_79 = tpu.memref_slice %arg6[%add3A_37] : memref<6400xi32, #tpu.memory_space<vmem>> -> memref<80xi32, #tpu.memory_space<vmem>>
      %dma_wait3A_80 = arith.constant 0 : i32
      %dma_wait3A_81 = arith.constant 0 : i32
      %dma_wait3A_82 = tpu.memref_slice %arg3[%dma_wait3A_80, %dma_wait3A_81] : memref<502656x128xf32, #tpu.memory_space<hbm>> -> memref<502656x128xf32, #tpu.memory_space<hbm>>
      tpu.wait_indirect_dma semaphore(%arg10 : memref<!tpu.dma_semaphore, #tpu.memory_space<semaphore_mem>>) src(%dma_wait3A_82 : memref<502656x128xf32, #tpu.memory_space<hbm>>) dst(%dma_wait3A_78 : memref<80x128xf32, #tpu.memory_space<vmem>>)
      %dma_wait3A_83 = arith.constant 240 : i32
      %dma_wait3A_84 = arith.constant 0 : i32
      %dma_wait3A_85 = tpu.memref_slice %arg8[%dma_wait3A_83, %dma_wait3A_84] : memref<400x128xf32, #tpu.memory_space<vmem>> -> memref<80x128xf32, #tpu.memory_space<vmem>>
      %dma_wait3A_86 = tpu.memref_slice %arg6[%add3A_46] : memref<6400xi32, #tpu.memory_space<vmem>> -> memref<80xi32, #tpu.memory_space<vmem>>
      %dma_wait3A_87 = arith.constant 0 : i32
      %dma_wait3A_88 = arith.constant 0 : i32
      %dma_wait3A_89 = tpu.memref_slice %arg3[%dma_wait3A_87, %dma_wait3A_88] : memref<502656x128xf32, #tpu.memory_space<hbm>> -> memref<502656x128xf32, #tpu.memory_space<hbm>>
      tpu.wait_indirect_dma semaphore(%arg10 : memref<!tpu.dma_semaphore, #tpu.memory_space<semaphore_mem>>) src(%dma_wait3A_89 : memref<502656x128xf32, #tpu.memory_space<hbm>>) dst(%dma_wait3A_85 : memref<80x128xf32, #tpu.memory_space<vmem>>)
      %dma_wait3A_90 = arith.constant 320 : i32
      %dma_wait3A_91 = arith.constant 0 : i32
      %dma_wait3A_92 = tpu.memref_slice %arg8[%dma_wait3A_90, %dma_wait3A_91] : memref<400x128xf32, #tpu.memory_space<vmem>> -> memref<80x128xf32, #tpu.memory_space<vmem>>
      %dma_wait3A_93 = tpu.memref_slice %arg6[%add3A_55] : memref<6400xi32, #tpu.memory_space<vmem>> -> memref<80xi32, #tpu.memory_space<vmem>>
      %dma_wait3A_94 = arith.constant 0 : i32
      %dma_wait3A_95 = arith.constant 0 : i32
      %dma_wait3A_96 = tpu.memref_slice %arg3[%dma_wait3A_94, %dma_wait3A_95] : memref<502656x128xf32, #tpu.memory_space<hbm>> -> memref<502656x128xf32, #tpu.memory_space<hbm>>
      tpu.wait_indirect_dma semaphore(%arg10 : memref<!tpu.dma_semaphore, #tpu.memory_space<semaphore_mem>>) src(%dma_wait3A_96 : memref<502656x128xf32, #tpu.memory_space<hbm>>) dst(%dma_wait3A_92 : memref<80x128xf32, #tpu.memory_space<vmem>>)
      %scan3A_97 = arith.constant 0 : i32
      %scan3A_98 = arith.constant 0 : i32
      %scan3A_99 = arith.constant 25 : i32
      %scan3A_100 = arith.addi %scan3A_98, %scan3A_99 : i32
      %scan3A_101 = arith.constant 1 : i32
      scf.for %scan3A_106 = %scan3A_98 to %scan3A_100 step %scan3A_101  : i32 {
        %mul3A_107 = arith.constant 16 : i32
        %mul3A_108 = arith.muli %scan3A_106, %mul3A_107 : i32
        %add3A_109 = arith.addi %mul3A_18, %mul3A_108 : i32
        %get3A = arith.index_cast %add3A_109 : i32 to index
        %get3A_110 = tpu.vector_load %arg7[%get3A] {strides = array<i32>} : memref<6400xi32, #tpu.memory_space<vmem>>, vector<16xi32>,
        %slice3A = vector.extract_strided_slice %get3A_110 {offsets = [0], sizes = [1], strides = [1]} : vector<16xi32> to vector<1xi32>
        %squeeze3A = vector.extract %slice3A[0] : i32 from vector<1xi32>
        %mul3A_111 = arith.constant 16 : i32
        %mul3A_112 = arith.muli %scan3A_106, %mul3A_111 : i32
        %add3A_113 = arith.constant 0 : i32
        %add3A_114 = arith.addi %mul3A_112, %add3A_113 : i32
        %add3A_115 = arith.constant 0 : i32
        %add3A_116 = arith.addi %squeeze3A, %add3A_115 : i32
        %get3A_117 = arith.index_cast %add3A_114 : i32 to index
        %get3A_118 = arith.index_cast %add3A_116 : i32 to index
        %get3A_119 = tpu.vector_load %arg8[%get3A_117, %get3A_118] {strides = array<i32>} : memref<400x128xf32, #tpu.memory_space<vmem>>, vector<16xf32>,
        %mul3A_120 = arith.constant 8 : i32
        %mul3A_121 = arith.muli %scan3A_106, %mul3A_120 : i32
        %add3A_122 = arith.constant 0 : i32
        %add3A_123 = arith.addi %mul3A_121, %add3A_122 : i32
        %swap3A = arith.index_cast %add3A_123 : i32 to index
        %swap3A_124 = arith.constant 0 : index
        %swap3A_125 = tpu.vector_load %arg9[%swap3A, %swap3A_124] {strides = array<i32>} : memref<200x128xf32, #tpu.memory_space<vmem>>, vector<16xf32>,
        tpu.vector_store %arg9[%swap3A, %swap3A_124], %get3A_119 {strides = array<i32>} : memref<200x128xf32, #tpu.memory_space<vmem>>, vector<16xf32>,
        %mul3A_126 = arith.constant 16 : i32
        %mul3A_127 = arith.muli %scan3A_106, %mul3A_126 : i32
        %add3A_128 = arith.constant 0 : i32
        %add3A_129 = arith.addi %mul3A_127, %add3A_128 : i32
        %add3A_130 = arith.constant 16 : i32
        %add3A_131 = arith.addi %squeeze3A, %add3A_130 : i32
        %get3A_132 = arith.index_cast %add3A_129 : i32 to index
        %get3A_133 = arith.index_cast %add3A_131 : i32 to index
        %get3A_134 = tpu.vector_load %arg8[%get3A_132, %get3A_133] {strides = array<i32>} : memref<400x128xf32, #tpu.memory_space<vmem>>, vector<16xf32>,
        %mul3A_135 = arith.constant 8 : i32
        %mul3A_136 = arith.muli %scan3A_106, %mul3A_135 : i32
        %add3A_137 = arith.constant 0 : i32
        %add3A_138 = arith.addi %mul3A_136, %add3A_137 : i32
        %swap3A_139 = arith.index_cast %add3A_138 : i32 to index
        %swap3A_140 = arith.constant 16 : index
        %swap3A_141 = tpu.vector_load %arg9[%swap3A_139, %swap3A_140] {strides = array<i32>} : memref<200x128xf32, #tpu.memory_space<vmem>>, vector<16xf32>,
        tpu.vector_store %arg9[%swap3A_139, %swap3A_140], %get3A_134 {strides = array<i32>} : memref<200x128xf32, #tpu.memory_space<vmem>>, vector<16xf32>,
        %mul3A_142 = arith.constant 16 : i32
        %mul3A_143 = arith.muli %scan3A_106, %mul3A_142 : i32
        %add3A_144 = arith.constant 0 : i32
        %add3A_145 = arith.addi %mul3A_143, %add3A_144 : i32
        %add3A_146 = arith.constant 32 : i32
        %add3A_147 = arith.addi %squeeze3A, %add3A_146 : i32
        %get3A_148 = arith.index_cast %add3A_145 : i32 to index
        %get3A_149 = arith.index_cast %add3A_147 : i32 to index
        %get3A_150 = tpu.vector_load %arg8[%get3A_148, %get3A_149] {strides = array<i32>} : memref<400x128xf32, #tpu.memory_space<vmem>>, vector<16xf32>,
        %mul3A_151 = arith.constant 8 : i32
        %mul3A_152 = arith.muli %scan3A_106, %mul3A_151 : i32
        %add3A_153 = arith.constant 0 : i32
        %add3A_154 = arith.addi %mul3A_152, %add3A_153 : i32
        %swap3A_155 = arith.index_cast %add3A_154 : i32 to index
        %swap3A_156 = arith.constant 32 : index
        %swap3A_157 = tpu.vector_load %arg9[%swap3A_155, %swap3A_156] {strides = array<i32>} : memref<200x128xf32, #tpu.memory_space<vmem>>, vector<16xf32>,
        tpu.vector_store %arg9[%swap3A_155, %swap3A_156], %get3A_150 {strides = array<i32>} : memref<200x128xf32, #tpu.memory_space<vmem>>, vector<16xf32>,
        %mul3A_158 = arith.constant 16 : i32
        %mul3A_159 = arith.muli %scan3A_106, %mul3A_158 : i32
        %add3A_160 = arith.constant 0 : i32
        %add3A_161 = arith.addi %mul3A_159, %add3A_160 : i32
        %add3A_162 = arith.constant 48 : i32
        %add3A_163 = arith.addi %squeeze3A, %add3A_162 : i32
        %get3A_164 = arith.index_cast %add3A_161 : i32 to index
        %get3A_165 = arith.index_cast %add3A_163 : i32 to index
        %get3A_166 = tpu.vector_load %arg8[%get3A_164, %get3A_165] {strides = array<i32>} : memref<400x128xf32, #tpu.memory_space<vmem>>, vector<16xf32>,
        %mul3A_167 = arith.constant 8 : i32
        %mul3A_168 = arith.muli %scan3A_106, %mul3A_167 : i32
        %add3A_169 = arith.constant 0 : i32
        %add3A_170 = arith.addi %mul3A_168, %add3A_169 : i32
        %swap3A_171 = arith.index_cast %add3A_170 : i32 to index
        %swap3A_172 = arith.constant 48 : index
        %swap3A_173 = tpu.vector_load %arg9[%swap3A_171, %swap3A_172] {strides = array<i32>} : memref<200x128xf32, #tpu.memory_space<vmem>>, vector<16xf32>,
        tpu.vector_store %arg9[%swap3A_171, %swap3A_172], %get3A_166 {strides = array<i32>} : memref<200x128xf32, #tpu.memory_space<vmem>>, vector<16xf32>,
        %slice3A_174 = vector.extract_strided_slice %get3A_110 {offsets = [1], sizes = [1], strides = [1]} : vector<16xi32> to vector<1xi32>
        %squeeze3A_175 = vector.extract %slice3A_174[0] : i32 from vector<1xi32>
        %mul3A_176 = arith.constant 16 : i32
        %mul3A_177 = arith.muli %scan3A_106, %mul3A_176 : i32
        %add3A_178 = arith.constant 1 : i32
        %add3A_179 = arith.addi %mul3A_177, %add3A_178 : i32
        %add3A_180 = arith.constant 0 : i32
        %add3A_181 = arith.addi %squeeze3A_175, %add3A_180 : i32
        %get3A_182 = arith.index_cast %add3A_179 : i32 to index
        %get3A_183 = arith.index_cast %add3A_181 : i32 to index
        %get3A_184 = tpu.vector_load %arg8[%get3A_182, %get3A_183] {strides = array<i32>} : memref<400x128xf32, #tpu.memory_space<vmem>>, vector<16xf32>,
        %mul3A_185 = arith.constant 8 : i32
        %mul3A_186 = arith.muli %scan3A_106, %mul3A_185 : i32
        %add3A_187 = arith.constant 0 : i32
        %add3A_188 = arith.addi %mul3A_186, %add3A_187 : i32
        %swap3A_189 = arith.index_cast %add3A_188 : i32 to index
        %swap3A_190 = arith.constant 64 : index
        %swap3A_191 = tpu.vector_load %arg9[%swap3A_189, %swap3A_190] {strides = array<i32>} : memref<200x128xf32, #tpu.memory_space<vmem>>, vector<16xf32>,
        tpu.vector_store %arg9[%swap3A_189, %swap3A_190], %get3A_184 {strides = array<i32>} : memref<200x128xf32, #tpu.memory_space<vmem>>, vector<16xf32>,
        %mul3A_192 = arith.constant 16 : i32
        %mul3A_193 = arith.muli %scan3A_106, %mul3A_192 : i32
        %add3A_194 = arith.constant 1 : i32
        %add3A_195 = arith.addi %mul3A_193, %add3A_194 : i32
        %add3A_196 = arith.constant 16 : i32
        %add3A_197 = arith.addi %squeeze3A_175, %add3A_196 : i32
        %get3A_198 = arith.index_cast %add3A_195 : i32 to index
        %get3A_199 = arith.index_cast %add3A_197 : i32 to index
        %get3A_200 = tpu.vector_load %arg8[%get3A_198, %get3A_199] {strides = array<i32>} : memref<400x128xf32, #tpu.memory_space<vmem>>, vector<16xf32>,
        %mul3A_201 = arith.constant 8 : i32
        %mul3A_202 = arith.muli %scan3A_106, %mul3A_201 : i32
        %add3A_203 = arith.constant 0 : i32
        %add3A_204 = arith.addi %mul3A_202, %add3A_203 : i32
        %swap3A_205 = arith.index_cast %add3A_204 : i32 to index
        %swap3A_206 = arith.constant 80 : index
        %swap3A_207 = tpu.vector_load %arg9[%swap3A_205, %swap3A_206] {strides = array<i32>} : memref<200x128xf32, #tpu.memory_space<vmem>>, vector<16xf32>,
        tpu.vector_store %arg9[%swap3A_205, %swap3A_206], %get3A_200 {strides = array<i32>} : memref<200x128xf32, #tpu.memory_space<vmem>>, vector<16xf32>,
        %mul3A_208 = arith.constant 16 : i32
        %mul3A_209 = arith.muli %scan3A_106, %mul3A_208 : i32
        %add3A_210 = arith.constant 1 : i32
        %add3A_211 = arith.addi %mul3A_209, %add3A_210 : i32
        %add3A_212 = arith.constant 32 : i32
        %add3A_213 = arith.addi %squeeze3A_175, %add3A_212 : i32
        %get3A_214 = arith.index_cast %add3A_211 : i32 to index
        %get3A_215 = arith.index_cast %add3A_213 : i32 to index
        %get3A_216 = tpu.vector_load %arg8[%get3A_214, %get3A_215] {strides = array<i32>} : memref<400x128xf32, #tpu.memory_space<vmem>>, vector<16xf32>,
        %mul3A_217 = arith.constant 8 : i32
        %mul3A_218 = arith.muli %scan3A_106, %mul3A_217 : i32
        %add3A_219 = arith.constant 0 : i32
        %add3A_220 = arith.addi %mul3A_218, %add3A_219 : i32
        %swap3A_221 = arith.index_cast %add3A_220 : i32 to index
        %swap3A_222 = arith.constant 96 : index
        %swap3A_223 = tpu.vector_load %arg9[%swap3A_221, %swap3A_222] {strides = array<i32>} : memref<200x128xf32, #tpu.memory_space<vmem>>, vector<16xf32>,
        tpu.vector_store %arg9[%swap3A_221, %swap3A_222], %get3A_216 {strides = array<i32>} : memref<200x128xf32, #tpu.memory_space<vmem>>, vector<16xf32>,
        %mul3A_224 = arith.constant 16 : i32
        %mul3A_225 = arith.muli %scan3A_106, %mul3A_224 : i32
        %add3A_226 = arith.constant 1 : i32
        %add3A_227 = arith.addi %mul3A_225, %add3A_226 : i32
        %add3A_228 = arith.constant 48 : i32
        %add3A_229 = arith.addi %squeeze3A_175, %add3A_228 : i32
        %get3A_230 = arith.index_cast %add3A_227 : i32 to index
        %get3A_231 = arith.index_cast %add3A_229 : i32 to index
        %get3A_232 = tpu.vector_load %arg8[%get3A_230, %get3A_231] {strides = array<i32>} : memref<400x128xf32, #tpu.memory_space<vmem>>, vector<16xf32>,
        %mul3A_233 = arith.constant 8 : i32
        %mul3A_234 = arith.muli %scan3A_106, %mul3A_233 : i32
        %add3A_235 = arith.constant 0 : i32
        %add3A_236 = arith.addi %mul3A_234, %add3A_235 : i32
        %swap3A_237 = arith.index_cast %add3A_236 : i32 to index
        %swap3A_238 = arith.constant 112 : index
        %swap3A_239 = tpu.vector_load %arg9[%swap3A_237, %swap3A_238] {strides = array<i32>} : memref<200x128xf32, #tpu.memory_space<vmem>>, vector<16xf32>,
        tpu.vector_store %arg9[%swap3A_237, %swap3A_238], %get3A_232 {strides = array<i32>} : memref<200x128xf32, #tpu.memory_space<vmem>>, vector<16xf32>,
        %slice3A_240 = vector.extract_strided_slice %get3A_110 {offsets = [2], sizes = [1], strides = [1]} : vector<16xi32> to vector<1xi32>
        %squeeze3A_241 = vector.extract %slice3A_240[0] : i32 from vector<1xi32>
        %mul3A_242 = arith.constant 16 : i32
        %mul3A_243 = arith.muli %scan3A_106, %mul3A_242 : i32
        %add3A_244 = arith.constant 2 : i32
        %add3A_245 = arith.addi %mul3A_243, %add3A_244 : i32
        %add3A_246 = arith.constant 0 : i32
        %add3A_247 = arith.addi %squeeze3A_241, %add3A_246 : i32
        %get3A_248 = arith.index_cast %add3A_245 : i32 to index
        %get3A_249 = arith.index_cast %add3A_247 : i32 to index
        %get3A_250 = tpu.vector_load %arg8[%get3A_248, %get3A_249] {strides = array<i32>} : memref<400x128xf32, #tpu.memory_space<vmem>>, vector<16xf32>,
        %mul3A_251 = arith.constant 8 : i32
        %mul3A_252 = arith.muli %scan3A_106, %mul3A_251 : i32
        %add3A_253 = arith.constant 1 : i32
        %add3A_254 = arith.addi %mul3A_252, %add3A_253 : i32
        %swap3A_255 = arith.index_cast %add3A_254 : i32 to index
        %swap3A_256 = arith.constant 0 : index
        %swap3A_257 = tpu.vector_load %arg9[%swap3A_255, %swap3A_256] {strides = array<i32>} : memref<200x128xf32, #tpu.memory_space<vmem>>, vector<16xf32>,
        tpu.vector_store %arg9[%swap3A_255, %swap3A_256], %get3A_250 {strides = array<i32>} : memref<200x128xf32, #tpu.memory_space<vmem>>, vector<16xf32>,
        %mul3A_258 = arith.constant 16 : i32
        %mul3A_259 = arith.muli %scan3A_106, %mul3A_258 : i32
        %add3A_260 = arith.constant 2 : i32
        %add3A_261 = arith.addi %mul3A_259, %add3A_260 : i32
        %add3A_262 = arith.constant 16 : i32
        %add3A_263 = arith.addi %squeeze3A_241, %add3A_262 : i32
        %get3A_264 = arith.index_cast %add3A_261 : i32 to index
        %get3A_265 = arith.index_cast %add3A_263 : i32 to index
        %get3A_266 = tpu.vector_load %arg8[%get3A_264, %get3A_265] {strides = array<i32>} : memref<400x128xf32, #tpu.memory_space<vmem>>, vector<16xf32>,
        %mul3A_267 = arith.constant 8 : i32
        %mul3A_268 = arith.muli %scan3A_106, %mul3A_267 : i32
        %add3A_269 = arith.constant 1 : i32
        %add3A_270 = arith.addi %mul3A_268, %add3A_269 : i32
        %swap3A_271 = arith.index_cast %add3A_270 : i32 to index
        %swap3A_272 = arith.constant 16 : index
        %swap3A_273 = tpu.vector_load %arg9[%swap3A_271, %swap3A_272] {strides = array<i32>} : memref<200x128xf32, #tpu.memory_space<vmem>>, vector<16xf32>,
        tpu.vector_store %arg9[%swap3A_271, %swap3A_272], %get3A_266 {strides = array<i32>} : memref<200x128xf32, #tpu.memory_space<vmem>>, vector<16xf32>,
        %mul3A_274 = arith.constant 16 : i32
        %mul3A_275 = arith.muli %scan3A_106, %mul3A_274 : i32
        %add3A_276 = arith.constant 2 : i32
        %add3A_277 = arith.addi %mul3A_275, %add3A_276 : i32
        %add3A_278 = arith.constant 32 : i32
        %add3A_279 = arith.addi %squeeze3A_241, %add3A_278 : i32
        %get3A_280 = arith.index_cast %add3A_277 : i32 to index
        %get3A_281 = arith.index_cast %add3A_279 : i32 to index
        %get3A_282 = tpu.vector_load %arg8[%get3A_280, %get3A_281] {strides = array<i32>} : memref<400x128xf32, #tpu.memory_space<vmem>>, vector<16xf32>,
        %mul3A_283 = arith.constant 8 : i32
        %mul3A_284 = arith.muli %scan3A_106, %mul3A_283 : i32
        %add3A_285 = arith.constant 1 : i32
        %add3A_286 = arith.addi %mul3A_284, %add3A_285 : i32
        %swap3A_287 = arith.index_cast %add3A_286 : i32 to index
        %swap3A_288 = arith.constant 32 : index
        %swap3A_289 = tpu.vector_load %arg9[%swap3A_287, %swap3A_288] {strides = array<i32>} : memref<200x128xf32, #tpu.memory_space<vmem>>, vector<16xf32>,
        tpu.vector_store %arg9[%swap3A_287, %swap3A_288], %get3A_282 {strides = array<i32>} : memref<200x128xf32, #tpu.memory_space<vmem>>, vector<16xf32>,
        %mul3A_290 = arith.constant 16 : i32
        %mul3A_291 = arith.muli %scan3A_106, %mul3A_290 : i32
        %add3A_292 = arith.constant 2 : i32
        %add3A_293 = arith.addi %mul3A_291, %add3A_292 : i32
        %add3A_294 = arith.constant 48 : i32
        %add3A_295 = arith.addi %squeeze3A_241, %add3A_294 : i32
        %get3A_296 = arith.index_cast %add3A_293 : i32 to index
        %get3A_297 = arith.index_cast %add3A_295 : i32 to index
        %get3A_298 = tpu.vector_load %arg8[%get3A_296, %get3A_297] {strides = array<i32>} : memref<400x128xf32, #tpu.memory_space<vmem>>, vector<16xf32>,
        %mul3A_299 = arith.constant 8 : i32
        %mul3A_300 = arith.muli %scan3A_106, %mul3A_299 : i32
        %add3A_301 = arith.constant 1 : i32
        %add3A_302 = arith.addi %mul3A_300, %add3A_301 : i32
        %swap3A_303 = arith.index_cast %add3A_302 : i32 to index
        %swap3A_304 = arith.constant 48 : index
        %swap3A_305 = tpu.vector_load %arg9[%swap3A_303, %swap3A_304] {strides = array<i32>} : memref<200x128xf32, #tpu.memory_space<vmem>>, vector<16xf32>,
        tpu.vector_store %arg9[%swap3A_303, %swap3A_304], %get3A_298 {strides = array<i32>} : memref<200x128xf32, #tpu.memory_space<vmem>>, vector<16xf32>,
        %slice3A_306 = vector.extract_strided_slice %get3A_110 {offsets = [3], sizes = [1], strides = [1]} : vector<16xi32> to vector<1xi32>
        %squeeze3A_307 = vector.extract %slice3A_306[0] : i32 from vector<1xi32>
        %mul3A_308 = arith.constant 16 : i32
        %mul3A_309 = arith.muli %scan3A_106, %mul3A_308 : i32
        %add3A_310 = arith.constant 3 : i32
        %add3A_311 = arith.addi %mul3A_309, %add3A_310 : i32
        %add3A_312 = arith.constant 0 : i32
        %add3A_313 = arith.addi %squeeze3A_307, %add3A_312 : i32
        %get3A_314 = arith.index_cast %add3A_311 : i32 to index
        %get3A_315 = arith.index_cast %add3A_313 : i32 to index
        %get3A_316 = tpu.vector_load %arg8[%get3A_314, %get3A_315] {strides = array<i32>} : memref<400x128xf32, #tpu.memory_space<vmem>>, vector<16xf32>,
        %mul3A_317 = arith.constant 8 : i32
        %mul3A_318 = arith.muli %scan3A_106, %mul3A_317 : i32
        %add3A_319 = arith.constant 1 : i32
        %add3A_320 = arith.addi %mul3A_318, %add3A_319 : i32
        %swap3A_321 = arith.index_cast %add3A_320 : i32 to index
        %swap3A_322 = arith.constant 64 : index
        %swap3A_323 = tpu.vector_load %arg9[%swap3A_321, %swap3A_322] {strides = array<i32>} : memref<200x128xf32, #tpu.memory_space<vmem>>, vector<16xf32>,
        tpu.vector_store %arg9[%swap3A_321, %swap3A_322], %get3A_316 {strides = array<i32>} : memref<200x128xf32, #tpu.memory_space<vmem>>, vector<16xf32>,
        %mul3A_324 = arith.constant 16 : i32
        %mul3A_325 = arith.muli %scan3A_106, %mul3A_324 : i32
        %add3A_326 = arith.constant 3 : i32
        %add3A_327 = arith.addi %mul3A_325, %add3A_326 : i32
        %add3A_328 = arith.constant 16 : i32
        %add3A_329 = arith.addi %squeeze3A_307, %add3A_328 : i32
        %get3A_330 = arith.index_cast %add3A_327 : i32 to index
        %get3A_331 = arith.index_cast %add3A_329 : i32 to index
        %get3A_332 = tpu.vector_load %arg8[%get3A_330, %get3A_331] {strides = array<i32>} : memref<400x128xf32, #tpu.memory_space<vmem>>, vector<16xf32>,
        %mul3A_333 = arith.constant 8 : i32
        %mul3A_334 = arith.muli %scan3A_106, %mul3A_333 : i32
        %add3A_335 = arith.constant 1 : i32
        %add3A_336 = arith.addi %mul3A_334, %add3A_335 : i32
        %swap3A_337 = arith.index_cast %add3A_336 : i32 to index
        %swap3A_338 = arith.constant 80 : index
        %swap3A_339 = tpu.vector_load %arg9[%swap3A_337, %swap3A_338] {strides = array<i32>} : memref<200x128xf32, #tpu.memory_space<vmem>>, vector<16xf32>,
        tpu.vector_store %arg9[%swap3A_337, %swap3A_338], %get3A_332 {strides = array<i32>} : memref<200x128xf32, #tpu.memory_space<vmem>>, vector<16xf32>,
        %mul3A_340 = arith.constant 16 : i32
        %mul3A_341 = arith.muli %scan3A_106, %mul3A_340 : i32
        %add3A_342 = arith.constant 3 : i32
        %add3A_343 = arith.addi %mul3A_341, %add3A_342 : i32
        %add3A_344 = arith.constant 32 : i32
        %add3A_345 = arith.addi %squeeze3A_307, %add3A_344 : i32
        %get3A_346 = arith.index_cast %add3A_343 : i32 to index
        %get3A_347 = arith.index_cast %add3A_345 : i32 to index
        %get3A_348 = tpu.vector_load %arg8[%get3A_346, %get3A_347] {strides = array<i32>} : memref<400x128xf32, #tpu.memory_space<vmem>>, vector<16xf32>,
        %mul3A_349 = arith.constant 8 : i32
        %mul3A_350 = arith.muli %scan3A_106, %mul3A_349 : i32
        %add3A_351 = arith.constant 1 : i32
        %add3A_352 = arith.addi %mul3A_350, %add3A_351 : i32
        %swap3A_353 = arith.index_cast %add3A_352 : i32 to index
        %swap3A_354 = arith.constant 96 : index
        %swap3A_355 = tpu.vector_load %arg9[%swap3A_353, %swap3A_354] {strides = array<i32>} : memref<200x128xf32, #tpu.memory_space<vmem>>, vector<16xf32>,
        tpu.vector_store %arg9[%swap3A_353, %swap3A_354], %get3A_348 {strides = array<i32>} : memref<200x128xf32, #tpu.memory_space<vmem>>, vector<16xf32>,
        %mul3A_356 = arith.constant 16 : i32
        %mul3A_357 = arith.muli %scan3A_106, %mul3A_356 : i32
        %add3A_358 = arith.constant 3 : i32
        %add3A_359 = arith.addi %mul3A_357, %add3A_358 : i32
        %add3A_360 = arith.constant 48 : i32
        %add3A_361 = arith.addi %squeeze3A_307, %add3A_360 : i32
        %get3A_362 = arith.index_cast %add3A_359 : i32 to index
        %get3A_363 = arith.index_cast %add3A_361 : i32 to index
        %get3A_364 = tpu.vector_load %arg8[%get3A_362, %get3A_363] {strides = array<i32>} : memref<400x128xf32, #tpu.memory_space<vmem>>, vector<16xf32>,
        %mul3A_365 = arith.constant 8 : i32
        %mul3A_366 = arith.muli %scan3A_106, %mul3A_365 : i32
        %add3A_367 = arith.constant 1 : i32
        %add3A_368 = arith.addi %mul3A_366, %add3A_367 : i32
        %swap3A_369 = arith.index_cast %add3A_368 : i32 to index
        %swap3A_370 = arith.constant 112 : index
        %swap3A_371 = tpu.vector_load %arg9[%swap3A_369, %swap3A_370] {strides = array<i32>} : memref<200x128xf32, #tpu.memory_space<vmem>>, vector<16xf32>,
        tpu.vector_store %arg9[%swap3A_369, %swap3A_370], %get3A_364 {strides = array<i32>} : memref<200x128xf32, #tpu.memory_space<vmem>>, vector<16xf32>,
        %slice3A_372 = vector.extract_strided_slice %get3A_110 {offsets = [4], sizes = [1], strides = [1]} : vector<16xi32> to vector<1xi32>
        %squeeze3A_373 = vector.extract %slice3A_372[0] : i32 from vector<1xi32>
        %mul3A_374 = arith.constant 16 : i32
        %mul3A_375 = arith.muli %scan3A_106, %mul3A_374 : i32
        %add3A_376 = arith.constant 4 : i32
        %add3A_377 = arith.addi %mul3A_375, %add3A_376 : i32
        %add3A_378 = arith.constant 0 : i32
        %add3A_379 = arith.addi %squeeze3A_373, %add3A_378 : i32
        %get3A_380 = arith.index_cast %add3A_377 : i32 to index
        %get3A_381 = arith.index_cast %add3A_379 : i32 to index
        %get3A_382 = tpu.vector_load %arg8[%get3A_380, %get3A_381] {strides = array<i32>} : memref<400x128xf32, #tpu.memory_space<vmem>>, vector<16xf32>,
        %mul3A_383 = arith.constant 8 : i32
        %mul3A_384 = arith.muli %scan3A_106, %mul3A_383 : i32
        %add3A_385 = arith.constant 2 : i32
        %add3A_386 = arith.addi %mul3A_384, %add3A_385 : i32
        %swap3A_387 = arith.index_cast %add3A_386 : i32 to index
        %swap3A_388 = arith.constant 0 : index
        %swap3A_389 = tpu.vector_load %arg9[%swap3A_387, %swap3A_388] {strides = array<i32>} : memref<200x128xf32, #tpu.memory_space<vmem>>, vector<16xf32>,
        tpu.vector_store %arg9[%swap3A_387, %swap3A_388], %get3A_382 {strides = array<i32>} : memref<200x128xf32, #tpu.memory_space<vmem>>, vector<16xf32>,
        %mul3A_390 = arith.constant 16 : i32
        %mul3A_391 = arith.muli %scan3A_106, %mul3A_390 : i32
        %add3A_392 = arith.constant 4 : i32
        %add3A_393 = arith.addi %mul3A_391, %add3A_392 : i32
        %add3A_394 = arith.constant 16 : i32
        %add3A_395 = arith.addi %squeeze3A_373, %add3A_394 : i32
        %get3A_396 = arith.index_cast %add3A_393 : i32 to index
        %get3A_397 = arith.index_cast %add3A_395 : i32 to index
        %get3A_398 = tpu.vector_load %arg8[%get3A_396, %get3A_397] {strides = array<i32>} : memref<400x128xf32, #tpu.memory_space<vmem>>, vector<16xf32>,
        %mul3A_399 = arith.constant 8 : i32
        %mul3A_400 = arith.muli %scan3A_106, %mul3A_399 : i32
        %add3A_401 = arith.constant 2 : i32
        %add3A_402 = arith.addi %mul3A_400, %add3A_401 : i32
        %swap3A_403 = arith.index_cast %add3A_402 : i32 to index
        %swap3A_404 = arith.constant 16 : index
        %swap3A_405 = tpu.vector_load %arg9[%swap3A_403, %swap3A_404] {strides = array<i32>} : memref<200x128xf32, #tpu.memory_space<vmem>>, vector<16xf32>,
        tpu.vector_store %arg9[%swap3A_403, %swap3A_404], %get3A_398 {strides = array<i32>} : memref<200x128xf32, #tpu.memory_space<vmem>>, vector<16xf32>,
        %mul3A_406 = arith.constant 16 : i32
        %mul3A_407 = arith.muli %scan3A_106, %mul3A_406 : i32
        %add3A_408 = arith.constant 4 : i32
        %add3A_409 = arith.addi %mul3A_407, %add3A_408 : i32
        %add3A_410 = arith.constant 32 : i32
        %add3A_411 = arith.addi %squeeze3A_373, %add3A_410 : i32
        %get3A_412 = arith.index_cast %add3A_409 : i32 to index
        %get3A_413 = arith.index_cast %add3A_411 : i32 to index
        %get3A_414 = tpu.vector_load %arg8[%get3A_412, %get3A_413] {strides = array<i32>} : memref<400x128xf32, #tpu.memory_space<vmem>>, vector<16xf32>,
        %mul3A_415 = arith.constant 8 : i32
        %mul3A_416 = arith.muli %scan3A_106, %mul3A_415 : i32
        %add3A_417 = arith.constant 2 : i32
        %add3A_418 = arith.addi %mul3A_416, %add3A_417 : i32
        %swap3A_419 = arith.index_cast %add3A_418 : i32 to index
        %swap3A_420 = arith.constant 32 : index
        %swap3A_421 = tpu.vector_load %arg9[%swap3A_419, %swap3A_420] {strides = array<i32>} : memref<200x128xf32, #tpu.memory_space<vmem>>, vector<16xf32>,
        tpu.vector_store %arg9[%swap3A_419, %swap3A_420], %get3A_414 {strides = array<i32>} : memref<200x128xf32, #tpu.memory_space<vmem>>, vector<16xf32>,
        %mul3A_422 = arith.constant 16 : i32
        %mul3A_423 = arith.muli %scan3A_106, %mul3A_422 : i32
        %add3A_424 = arith.constant 4 : i32
        %add3A_425 = arith.addi %mul3A_423, %add3A_424 : i32
        %add3A_426 = arith.constant 48 : i32
        %add3A_427 = arith.addi %squeeze3A_373, %add3A_426 : i32
        %get3A_428 = arith.index_cast %add3A_425 : i32 to index
        %get3A_429 = arith.index_cast %add3A_427 : i32 to index
        %get3A_430 = tpu.vector_load %arg8[%get3A_428, %get3A_429] {strides = array<i32>} : memref<400x128xf32, #tpu.memory_space<vmem>>, vector<16xf32>,
        %mul3A_431 = arith.constant 8 : i32
        %mul3A_432 = arith.muli %scan3A_106, %mul3A_431 : i32
        %add3A_433 = arith.constant 2 : i32
        %add3A_434 = arith.addi %mul3A_432, %add3A_433 : i32
        %swap3A_435 = arith.index_cast %add3A_434 : i32 to index
        %swap3A_436 = arith.constant 48 : index
        %swap3A_437 = tpu.vector_load %arg9[%swap3A_435, %swap3A_436] {strides = array<i32>} : memref<200x128xf32, #tpu.memory_space<vmem>>, vector<16xf32>,
        tpu.vector_store %arg9[%swap3A_435, %swap3A_436], %get3A_430 {strides = array<i32>} : memref<200x128xf32, #tpu.memory_space<vmem>>, vector<16xf32>,
        %slice3A_438 = vector.extract_strided_slice %get3A_110 {offsets = [5], sizes = [1], strides = [1]} : vector<16xi32> to vector<1xi32>
        %squeeze3A_439 = vector.extract %slice3A_438[0] : i32 from vector<1xi32>
        %mul3A_440 = arith.constant 16 : i32
        %mul3A_441 = arith.muli %scan3A_106, %mul3A_440 : i32
        %add3A_442 = arith.constant 5 : i32
        %add3A_443 = arith.addi %mul3A_441, %add3A_442 : i32
        %add3A_444 = arith.constant 0 : i32
        %add3A_445 = arith.addi %squeeze3A_439, %add3A_444 : i32
        %get3A_446 = arith.index_cast %add3A_443 : i32 to index
        %get3A_447 = arith.index_cast %add3A_445 : i32 to index
        %get3A_448 = tpu.vector_load %arg8[%get3A_446, %get3A_447] {strides = array<i32>} : memref<400x128xf32, #tpu.memory_space<vmem>>, vector<16xf32>,
        %mul3A_449 = arith.constant 8 : i32
        %mul3A_450 = arith.muli %scan3A_106, %mul3A_449 : i32
        %add3A_451 = arith.constant 2 : i32
        %add3A_452 = arith.addi %mul3A_450, %add3A_451 : i32
        %swap3A_453 = arith.index_cast %add3A_452 : i32 to index
        %swap3A_454 = arith.constant 64 : index
        %swap3A_455 = tpu.vector_load %arg9[%swap3A_453, %swap3A_454] {strides = array<i32>} : memref<200x128xf32, #tpu.memory_space<vmem>>, vector<16xf32>,
        tpu.vector_store %arg9[%swap3A_453, %swap3A_454], %get3A_448 {strides = array<i32>} : memref<200x128xf32, #tpu.memory_space<vmem>>, vector<16xf32>,
        %mul3A_456 = arith.constant 16 : i32
        %mul3A_457 = arith.muli %scan3A_106, %mul3A_456 : i32
        %add3A_458 = arith.constant 5 : i32
        %add3A_459 = arith.addi %mul3A_457, %add3A_458 : i32
        %add3A_460 = arith.constant 16 : i32
        %add3A_461 = arith.addi %squeeze3A_439, %add3A_460 : i32
        %get3A_462 = arith.index_cast %add3A_459 : i32 to index
        %get3A_463 = arith.index_cast %add3A_461 : i32 to index
        %get3A_464 = tpu.vector_load %arg8[%get3A_462, %get3A_463] {strides = array<i32>} : memref<400x128xf32, #tpu.memory_space<vmem>>, vector<16xf32>,
        %mul3A_465 = arith.constant 8 : i32
        %mul3A_466 = arith.muli %scan3A_106, %mul3A_465 : i32
        %add3A_467 = arith.constant 2 : i32
        %add3A_468 = arith.addi %mul3A_466, %add3A_467 : i32
        %swap3A_469 = arith.index_cast %add3A_468 : i32 to index
        %swap3A_470 = arith.constant 80 : index
        %swap3A_471 = tpu.vector_load %arg9[%swap3A_469, %swap3A_470] {strides = array<i32>} : memref<200x128xf32, #tpu.memory_space<vmem>>, vector<16xf32>,
        tpu.vector_store %arg9[%swap3A_469, %swap3A_470], %get3A_464 {strides = array<i32>} : memref<200x128xf32, #tpu.memory_space<vmem>>, vector<16xf32>,
        %mul3A_472 = arith.constant 16 : i32
        %mul3A_473 = arith.muli %scan3A_106, %mul3A_472 : i32
        %add3A_474 = arith.constant 5 : i32
        %add3A_475 = arith.addi %mul3A_473, %add3A_474 : i32
        %add3A_476 = arith.constant 32 : i32
        %add3A_477 = arith.addi %squeeze3A_439, %add3A_476 : i32
        %get3A_478 = arith.index_cast %add3A_475 : i32 to index
        %get3A_479 = arith.index_cast %add3A_477 : i32 to index
        %get3A_480 = tpu.vector_load %arg8[%get3A_478, %get3A_479] {strides = array<i32>} : memref<400x128xf32, #tpu.memory_space<vmem>>, vector<16xf32>,
        %mul3A_481 = arith.constant 8 : i32
        %mul3A_482 = arith.muli %scan3A_106, %mul3A_481 : i32
        %add3A_483 = arith.constant 2 : i32
        %add3A_484 = arith.addi %mul3A_482, %add3A_483 : i32
        %swap3A_485 = arith.index_cast %add3A_484 : i32 to index
        %swap3A_486 = arith.constant 96 : index
        %swap3A_487 = tpu.vector_load %arg9[%swap3A_485, %swap3A_486] {strides = array<i32>} : memref<200x128xf32, #tpu.memory_space<vmem>>, vector<16xf32>,
        tpu.vector_store %arg9[%swap3A_485, %swap3A_486], %get3A_480 {strides = array<i32>} : memref<200x128xf32, #tpu.memory_space<vmem>>, vector<16xf32>,
        %mul3A_488 = arith.constant 16 : i32
        %mul3A_489 = arith.muli %scan3A_106, %mul3A_488 : i32
        %add3A_490 = arith.constant 5 : i32
        %add3A_491 = arith.addi %mul3A_489, %add3A_490 : i32
        %add3A_492 = arith.constant 48 : i32
        %add3A_493 = arith.addi %squeeze3A_439, %add3A_492 : i32
        %get3A_494 = arith.index_cast %add3A_491 : i32 to index
        %get3A_495 = arith.index_cast %add3A_493 : i32 to index
        %get3A_496 = tpu.vector_load %arg8[%get3A_494, %get3A_495] {strides = array<i32>} : memref<400x128xf32, #tpu.memory_space<vmem>>, vector<16xf32>,
        %mul3A_497 = arith.constant 8 : i32
        %mul3A_498 = arith.muli %scan3A_106, %mul3A_497 : i32
        %add3A_499 = arith.constant 2 : i32
        %add3A_500 = arith.addi %mul3A_498, %add3A_499 : i32
        %swap3A_501 = arith.index_cast %add3A_500 : i32 to index
        %swap3A_502 = arith.constant 112 : index
        %swap3A_503 = tpu.vector_load %arg9[%swap3A_501, %swap3A_502] {strides = array<i32>} : memref<200x128xf32, #tpu.memory_space<vmem>>, vector<16xf32>,
        tpu.vector_store %arg9[%swap3A_501, %swap3A_502], %get3A_496 {strides = array<i32>} : memref<200x128xf32, #tpu.memory_space<vmem>>, vector<16xf32>,
        %slice3A_504 = vector.extract_strided_slice %get3A_110 {offsets = [6], sizes = [1], strides = [1]} : vector<16xi32> to vector<1xi32>
        %squeeze3A_505 = vector.extract %slice3A_504[0] : i32 from vector<1xi32>
        %mul3A_506 = arith.constant 16 : i32
        %mul3A_507 = arith.muli %scan3A_106, %mul3A_506 : i32
        %add3A_508 = arith.constant 6 : i32
        %add3A_509 = arith.addi %mul3A_507, %add3A_508 : i32
        %add3A_510 = arith.constant 0 : i32
        %add3A_511 = arith.addi %squeeze3A_505, %add3A_510 : i32
        %get3A_512 = arith.index_cast %add3A_509 : i32 to index
        %get3A_513 = arith.index_cast %add3A_511 : i32 to index
        %get3A_514 = tpu.vector_load %arg8[%get3A_512, %get3A_513] {strides = array<i32>} : memref<400x128xf32, #tpu.memory_space<vmem>>, vector<16xf32>,
        %mul3A_515 = arith.constant 8 : i32
        %mul3A_516 = arith.muli %scan3A_106, %mul3A_515 : i32
        %add3A_517 = arith.constant 3 : i32
        %add3A_518 = arith.addi %mul3A_516, %add3A_517 : i32
        %swap3A_519 = arith.index_cast %add3A_518 : i32 to index
        %swap3A_520 = arith.constant 0 : index
        %swap3A_521 = tpu.vector_load %arg9[%swap3A_519, %swap3A_520] {strides = array<i32>} : memref<200x128xf32, #tpu.memory_space<vmem>>, vector<16xf32>,
        tpu.vector_store %arg9[%swap3A_519, %swap3A_520], %get3A_514 {strides = array<i32>} : memref<200x128xf32, #tpu.memory_space<vmem>>, vector<16xf32>,
        %mul3A_522 = arith.constant 16 : i32
        %mul3A_523 = arith.muli %scan3A_106, %mul3A_522 : i32
        %add3A_524 = arith.constant 6 : i32
        %add3A_525 = arith.addi %mul3A_523, %add3A_524 : i32
        %add3A_526 = arith.constant 16 : i32
        %add3A_527 = arith.addi %squeeze3A_505, %add3A_526 : i32
        %get3A_528 = arith.index_cast %add3A_525 : i32 to index
        %get3A_529 = arith.index_cast %add3A_527 : i32 to index
        %get3A_530 = tpu.vector_load %arg8[%get3A_528, %get3A_529] {strides = array<i32>} : memref<400x128xf32, #tpu.memory_space<vmem>>, vector<16xf32>,
        %mul3A_531 = arith.constant 8 : i32
        %mul3A_532 = arith.muli %scan3A_106, %mul3A_531 : i32
        %add3A_533 = arith.constant 3 : i32
        %add3A_534 = arith.addi %mul3A_532, %add3A_533 : i32
        %swap3A_535 = arith.index_cast %add3A_534 : i32 to index
        %swap3A_536 = arith.constant 16 : index
        %swap3A_537 = tpu.vector_load %arg9[%swap3A_535, %swap3A_536] {strides = array<i32>} : memref<200x128xf32, #tpu.memory_space<vmem>>, vector<16xf32>,
        tpu.vector_store %arg9[%swap3A_535, %swap3A_536], %get3A_530 {strides = array<i32>} : memref<200x128xf32, #tpu.memory_space<vmem>>, vector<16xf32>,
        %mul3A_538 = arith.constant 16 : i32
        %mul3A_539 = arith.muli %scan3A_106, %mul3A_538 : i32
        %add3A_540 = arith.constant 6 : i32
        %add3A_541 = arith.addi %mul3A_539, %add3A_540 : i32
        %add3A_542 = arith.constant 32 : i32
        %add3A_543 = arith.addi %squeeze3A_505, %add3A_542 : i32
        %get3A_544 = arith.index_cast %add3A_541 : i32 to index
        %get3A_545 = arith.index_cast %add3A_543 : i32 to index
        %get3A_546 = tpu.vector_load %arg8[%get3A_544, %get3A_545] {strides = array<i32>} : memref<400x128xf32, #tpu.memory_space<vmem>>, vector<16xf32>,
        %mul3A_547 = arith.constant 8 : i32
        %mul3A_548 = arith.muli %scan3A_106, %mul3A_547 : i32
        %add3A_549 = arith.constant 3 : i32
        %add3A_550 = arith.addi %mul3A_548, %add3A_549 : i32
        %swap3A_551 = arith.index_cast %add3A_550 : i32 to index
        %swap3A_552 = arith.constant 32 : index
        %swap3A_553 = tpu.vector_load %arg9[%swap3A_551, %swap3A_552] {strides = array<i32>} : memref<200x128xf32, #tpu.memory_space<vmem>>, vector<16xf32>,
        tpu.vector_store %arg9[%swap3A_551, %swap3A_552], %get3A_546 {strides = array<i32>} : memref<200x128xf32, #tpu.memory_space<vmem>>, vector<16xf32>,
        %mul3A_554 = arith.constant 16 : i32
        %mul3A_555 = arith.muli %scan3A_106, %mul3A_554 : i32
        %add3A_556 = arith.constant 6 : i32
        %add3A_557 = arith.addi %mul3A_555, %add3A_556 : i32
        %add3A_558 = arith.constant 48 : i32
        %add3A_559 = arith.addi %squeeze3A_505, %add3A_558 : i32
        %get3A_560 = arith.index_cast %add3A_557 : i32 to index
        %get3A_561 = arith.index_cast %add3A_559 : i32 to index
        %get3A_562 = tpu.vector_load %arg8[%get3A_560, %get3A_561] {strides = array<i32>} : memref<400x128xf32, #tpu.memory_space<vmem>>, vector<16xf32>,
        %mul3A_563 = arith.constant 8 : i32
        %mul3A_564 = arith.muli %scan3A_106, %mul3A_563 : i32
        %add3A_565 = arith.constant 3 : i32
        %add3A_566 = arith.addi %mul3A_564, %add3A_565 : i32
        %swap3A_567 = arith.index_cast %add3A_566 : i32 to index
        %swap3A_568 = arith.constant 48 : index
        %swap3A_569 = tpu.vector_load %arg9[%swap3A_567, %swap3A_568] {strides = array<i32>} : memref<200x128xf32, #tpu.memory_space<vmem>>, vector<16xf32>,
        tpu.vector_store %arg9[%swap3A_567, %swap3A_568], %get3A_562 {strides = array<i32>} : memref<200x128xf32, #tpu.memory_space<vmem>>, vector<16xf32>,
        %slice3A_570 = vector.extract_strided_slice %get3A_110 {offsets = [7], sizes = [1], strides = [1]} : vector<16xi32> to vector<1xi32>
        %squeeze3A_571 = vector.extract %slice3A_570[0] : i32 from vector<1xi32>
        %mul3A_572 = arith.constant 16 : i32
        %mul3A_573 = arith.muli %scan3A_106, %mul3A_572 : i32
        %add3A_574 = arith.constant 7 : i32
        %add3A_575 = arith.addi %mul3A_573, %add3A_574 : i32
        %add3A_576 = arith.constant 0 : i32
        %add3A_577 = arith.addi %squeeze3A_571, %add3A_576 : i32
        %get3A_578 = arith.index_cast %add3A_575 : i32 to index
        %get3A_579 = arith.index_cast %add3A_577 : i32 to index
        %get3A_580 = tpu.vector_load %arg8[%get3A_578, %get3A_579] {strides = array<i32>} : memref<400x128xf32, #tpu.memory_space<vmem>>, vector<16xf32>,
        %mul3A_581 = arith.constant 8 : i32
        %mul3A_582 = arith.muli %scan3A_106, %mul3A_581 : i32
        %add3A_583 = arith.constant 3 : i32
        %add3A_584 = arith.addi %mul3A_582, %add3A_583 : i32
        %swap3A_585 = arith.index_cast %add3A_584 : i32 to index
        %swap3A_586 = arith.constant 64 : index
        %swap3A_587 = tpu.vector_load %arg9[%swap3A_585, %swap3A_586] {strides = array<i32>} : memref<200x128xf32, #tpu.memory_space<vmem>>, vector<16xf32>,
        tpu.vector_store %arg9[%swap3A_585, %swap3A_586], %get3A_580 {strides = array<i32>} : memref<200x128xf32, #tpu.memory_space<vmem>>, vector<16xf32>,
        %mul3A_588 = arith.constant 16 : i32
        %mul3A_589 = arith.muli %scan3A_106, %mul3A_588 : i32
        %add3A_590 = arith.constant 7 : i32
        %add3A_591 = arith.addi %mul3A_589, %add3A_590 : i32
        %add3A_592 = arith.constant 16 : i32
        %add3A_593 = arith.addi %squeeze3A_571, %add3A_592 : i32
        %get3A_594 = arith.index_cast %add3A_591 : i32 to index
        %get3A_595 = arith.index_cast %add3A_593 : i32 to index
        %get3A_596 = tpu.vector_load %arg8[%get3A_594, %get3A_595] {strides = array<i32>} : memref<400x128xf32, #tpu.memory_space<vmem>>, vector<16xf32>,
        %mul3A_597 = arith.constant 8 : i32
        %mul3A_598 = arith.muli %scan3A_106, %mul3A_597 : i32
        %add3A_599 = arith.constant 3 : i32
        %add3A_600 = arith.addi %mul3A_598, %add3A_599 : i32
        %swap3A_601 = arith.index_cast %add3A_600 : i32 to index
        %swap3A_602 = arith.constant 80 : index
        %swap3A_603 = tpu.vector_load %arg9[%swap3A_601, %swap3A_602] {strides = array<i32>} : memref<200x128xf32, #tpu.memory_space<vmem>>, vector<16xf32>,
        tpu.vector_store %arg9[%swap3A_601, %swap3A_602], %get3A_596 {strides = array<i32>} : memref<200x128xf32, #tpu.memory_space<vmem>>, vector<16xf32>,
        %mul3A_604 = arith.constant 16 : i32
        %mul3A_605 = arith.muli %scan3A_106, %mul3A_604 : i32
        %add3A_606 = arith.constant 7 : i32
        %add3A_607 = arith.addi %mul3A_605, %add3A_606 : i32
        %add3A_608 = arith.constant 32 : i32
        %add3A_609 = arith.addi %squeeze3A_571, %add3A_608 : i32
        %get3A_610 = arith.index_cast %add3A_607 : i32 to index
        %get3A_611 = arith.index_cast %add3A_609 : i32 to index
        %get3A_612 = tpu.vector_load %arg8[%get3A_610, %get3A_611] {strides = array<i32>} : memref<400x128xf32, #tpu.memory_space<vmem>>, vector<16xf32>,
        %mul3A_613 = arith.constant 8 : i32
        %mul3A_614 = arith.muli %scan3A_106, %mul3A_613 : i32
        %add3A_615 = arith.constant 3 : i32
        %add3A_616 = arith.addi %mul3A_614, %add3A_615 : i32
        %swap3A_617 = arith.index_cast %add3A_616 : i32 to index
        %swap3A_618 = arith.constant 96 : index
        %swap3A_619 = tpu.vector_load %arg9[%swap3A_617, %swap3A_618] {strides = array<i32>} : memref<200x128xf32, #tpu.memory_space<vmem>>, vector<16xf32>,
        tpu.vector_store %arg9[%swap3A_617, %swap3A_618], %get3A_612 {strides = array<i32>} : memref<200x128xf32, #tpu.memory_space<vmem>>, vector<16xf32>,
        %mul3A_620 = arith.constant 16 : i32
        %mul3A_621 = arith.muli %scan3A_106, %mul3A_620 : i32
        %add3A_622 = arith.constant 7 : i32
        %add3A_623 = arith.addi %mul3A_621, %add3A_622 : i32
        %add3A_624 = arith.constant 48 : i32
        %add3A_625 = arith.addi %squeeze3A_571, %add3A_624 : i32
        %get3A_626 = arith.index_cast %add3A_623 : i32 to index
        %get3A_627 = arith.index_cast %add3A_625 : i32 to index
        %get3A_628 = tpu.vector_load %arg8[%get3A_626, %get3A_627] {strides = array<i32>} : memref<400x128xf32, #tpu.memory_space<vmem>>, vector<16xf32>,
        %mul3A_629 = arith.constant 8 : i32
        %mul3A_630 = arith.muli %scan3A_106, %mul3A_629 : i32
        %add3A_631 = arith.constant 3 : i32
        %add3A_632 = arith.addi %mul3A_630, %add3A_631 : i32
        %swap3A_633 = arith.index_cast %add3A_632 : i32 to index
        %swap3A_634 = arith.constant 112 : index
        %swap3A_635 = tpu.vector_load %arg9[%swap3A_633, %swap3A_634] {strides = array<i32>} : memref<200x128xf32, #tpu.memory_space<vmem>>, vector<16xf32>,
        tpu.vector_store %arg9[%swap3A_633, %swap3A_634], %get3A_628 {strides = array<i32>} : memref<200x128xf32, #tpu.memory_space<vmem>>, vector<16xf32>,
        %slice3A_636 = vector.extract_strided_slice %get3A_110 {offsets = [8], sizes = [1], strides = [1]} : vector<16xi32> to vector<1xi32>
        %squeeze3A_637 = vector.extract %slice3A_636[0] : i32 from vector<1xi32>
        %mul3A_638 = arith.constant 16 : i32
        %mul3A_639 = arith.muli %scan3A_106, %mul3A_638 : i32
        %add3A_640 = arith.constant 8 : i32
        %add3A_641 = arith.addi %mul3A_639, %add3A_640 : i32
        %add3A_642 = arith.constant 0 : i32
        %add3A_643 = arith.addi %squeeze3A_637, %add3A_642 : i32
        %get3A_644 = arith.index_cast %add3A_641 : i32 to index
        %get3A_645 = arith.index_cast %add3A_643 : i32 to index
        %get3A_646 = tpu.vector_load %arg8[%get3A_644, %get3A_645] {strides = array<i32>} : memref<400x128xf32, #tpu.memory_space<vmem>>, vector<16xf32>,
        %mul3A_647 = arith.constant 8 : i32
        %mul3A_648 = arith.muli %scan3A_106, %mul3A_647 : i32
        %add3A_649 = arith.constant 4 : i32
        %add3A_650 = arith.addi %mul3A_648, %add3A_649 : i32
        %swap3A_651 = arith.index_cast %add3A_650 : i32 to index
        %swap3A_652 = arith.constant 0 : index
        %swap3A_653 = tpu.vector_load %arg9[%swap3A_651, %swap3A_652] {strides = array<i32>} : memref<200x128xf32, #tpu.memory_space<vmem>>, vector<16xf32>,
        tpu.vector_store %arg9[%swap3A_651, %swap3A_652], %get3A_646 {strides = array<i32>} : memref<200x128xf32, #tpu.memory_space<vmem>>, vector<16xf32>,
        %mul3A_654 = arith.constant 16 : i32
        %mul3A_655 = arith.muli %scan3A_106, %mul3A_654 : i32
        %add3A_656 = arith.constant 8 : i32
        %add3A_657 = arith.addi %mul3A_655, %add3A_656 : i32
        %add3A_658 = arith.constant 16 : i32
        %add3A_659 = arith.addi %squeeze3A_637, %add3A_658 : i32
        %get3A_660 = arith.index_cast %add3A_657 : i32 to index
        %get3A_661 = arith.index_cast %add3A_659 : i32 to index
        %get3A_662 = tpu.vector_load %arg8[%get3A_660, %get3A_661] {strides = array<i32>} : memref<400x128xf32, #tpu.memory_space<vmem>>, vector<16xf32>,
        %mul3A_663 = arith.constant 8 : i32
        %mul3A_664 = arith.muli %scan3A_106, %mul3A_663 : i32
        %add3A_665 = arith.constant 4 : i32
        %add3A_666 = arith.addi %mul3A_664, %add3A_665 : i32
        %swap3A_667 = arith.index_cast %add3A_666 : i32 to index
        %swap3A_668 = arith.constant 16 : index
        %swap3A_669 = tpu.vector_load %arg9[%swap3A_667, %swap3A_668] {strides = array<i32>} : memref<200x128xf32, #tpu.memory_space<vmem>>, vector<16xf32>,
        tpu.vector_store %arg9[%swap3A_667, %swap3A_668], %get3A_662 {strides = array<i32>} : memref<200x128xf32, #tpu.memory_space<vmem>>, vector<16xf32>,
        %mul3A_670 = arith.constant 16 : i32
        %mul3A_671 = arith.muli %scan3A_106, %mul3A_670 : i32
        %add3A_672 = arith.constant 8 : i32
        %add3A_673 = arith.addi %mul3A_671, %add3A_672 : i32
        %add3A_674 = arith.constant 32 : i32
        %add3A_675 = arith.addi %squeeze3A_637, %add3A_674 : i32
        %get3A_676 = arith.index_cast %add3A_673 : i32 to index
        %get3A_677 = arith.index_cast %add3A_675 : i32 to index
        %get3A_678 = tpu.vector_load %arg8[%get3A_676, %get3A_677] {strides = array<i32>} : memref<400x128xf32, #tpu.memory_space<vmem>>, vector<16xf32>,
        %mul3A_679 = arith.constant 8 : i32
        %mul3A_680 = arith.muli %scan3A_106, %mul3A_679 : i32
        %add3A_681 = arith.constant 4 : i32
        %add3A_682 = arith.addi %mul3A_680, %add3A_681 : i32
        %swap3A_683 = arith.index_cast %add3A_682 : i32 to index
        %swap3A_684 = arith.constant 32 : index
        %swap3A_685 = tpu.vector_load %arg9[%swap3A_683, %swap3A_684] {strides = array<i32>} : memref<200x128xf32, #tpu.memory_space<vmem>>, vector<16xf32>,
        tpu.vector_store %arg9[%swap3A_683, %swap3A_684], %get3A_678 {strides = array<i32>} : memref<200x128xf32, #tpu.memory_space<vmem>>, vector<16xf32>,
        %mul3A_686 = arith.constant 16 : i32
        %mul3A_687 = arith.muli %scan3A_106, %mul3A_686 : i32
        %add3A_688 = arith.constant 8 : i32
        %add3A_689 = arith.addi %mul3A_687, %add3A_688 : i32
        %add3A_690 = arith.constant 48 : i32
        %add3A_691 = arith.addi %squeeze3A_637, %add3A_690 : i32
        %get3A_692 = arith.index_cast %add3A_689 : i32 to index
        %get3A_693 = arith.index_cast %add3A_691 : i32 to index
        %get3A_694 = tpu.vector_load %arg8[%get3A_692, %get3A_693] {strides = array<i32>} : memref<400x128xf32, #tpu.memory_space<vmem>>, vector<16xf32>,
        %mul3A_695 = arith.constant 8 : i32
        %mul3A_696 = arith.muli %scan3A_106, %mul3A_695 : i32
        %add3A_697 = arith.constant 4 : i32
        %add3A_698 = arith.addi %mul3A_696, %add3A_697 : i32
        %swap3A_699 = arith.index_cast %add3A_698 : i32 to index
        %swap3A_700 = arith.constant 48 : index
        %swap3A_701 = tpu.vector_load %arg9[%swap3A_699, %swap3A_700] {strides = array<i32>} : memref<200x128xf32, #tpu.memory_space<vmem>>, vector<16xf32>,
        tpu.vector_store %arg9[%swap3A_699, %swap3A_700], %get3A_694 {strides = array<i32>} : memref<200x128xf32, #tpu.memory_space<vmem>>, vector<16xf32>,
        %slice3A_702 = vector.extract_strided_slice %get3A_110 {offsets = [9], sizes = [1], strides = [1]} : vector<16xi32> to vector<1xi32>
        %squeeze3A_703 = vector.extract %slice3A_702[0] : i32 from vector<1xi32>
        %mul3A_704 = arith.constant 16 : i32
        %mul3A_705 = arith.muli %scan3A_106, %mul3A_704 : i32
        %add3A_706 = arith.constant 9 : i32
        %add3A_707 = arith.addi %mul3A_705, %add3A_706 : i32
        %add3A_708 = arith.constant 0 : i32
        %add3A_709 = arith.addi %squeeze3A_703, %add3A_708 : i32
        %get3A_710 = arith.index_cast %add3A_707 : i32 to index
        %get3A_711 = arith.index_cast %add3A_709 : i32 to index
        %get3A_712 = tpu.vector_load %arg8[%get3A_710, %get3A_711] {strides = array<i32>} : memref<400x128xf32, #tpu.memory_space<vmem>>, vector<16xf32>,
        %mul3A_713 = arith.constant 8 : i32
        %mul3A_714 = arith.muli %scan3A_106, %mul3A_713 : i32
        %add3A_715 = arith.constant 4 : i32
        %add3A_716 = arith.addi %mul3A_714, %add3A_715 : i32
        %swap3A_717 = arith.index_cast %add3A_716 : i32 to index
        %swap3A_718 = arith.constant 64 : index
        %swap3A_719 = tpu.vector_load %arg9[%swap3A_717, %swap3A_718] {strides = array<i32>} : memref<200x128xf32, #tpu.memory_space<vmem>>, vector<16xf32>,
        tpu.vector_store %arg9[%swap3A_717, %swap3A_718], %get3A_712 {strides = array<i32>} : memref<200x128xf32, #tpu.memory_space<vmem>>, vector<16xf32>,
        %mul3A_720 = arith.constant 16 : i32
        %mul3A_721 = arith.muli %scan3A_106, %mul3A_720 : i32
        %add3A_722 = arith.constant 9 : i32
        %add3A_723 = arith.addi %mul3A_721, %add3A_722 : i32
        %add3A_724 = arith.constant 16 : i32
        %add3A_725 = arith.addi %squeeze3A_703, %add3A_724 : i32
        %get3A_726 = arith.index_cast %add3A_723 : i32 to index
        %get3A_727 = arith.index_cast %add3A_725 : i32 to index
        %get3A_728 = tpu.vector_load %arg8[%get3A_726, %get3A_727] {strides = array<i32>} : memref<400x128xf32, #tpu.memory_space<vmem>>, vector<16xf32>,
        %mul3A_729 = arith.constant 8 : i32
        %mul3A_730 = arith.muli %scan3A_106, %mul3A_729 : i32
        %add3A_731 = arith.constant 4 : i32
        %add3A_732 = arith.addi %mul3A_730, %add3A_731 : i32
        %swap3A_733 = arith.index_cast %add3A_732 : i32 to index
        %swap3A_734 = arith.constant 80 : index
        %swap3A_735 = tpu.vector_load %arg9[%swap3A_733, %swap3A_734] {strides = array<i32>} : memref<200x128xf32, #tpu.memory_space<vmem>>, vector<16xf32>,
        tpu.vector_store %arg9[%swap3A_733, %swap3A_734], %get3A_728 {strides = array<i32>} : memref<200x128xf32, #tpu.memory_space<vmem>>, vector<16xf32>,
        %mul3A_736 = arith.constant 16 : i32
        %mul3A_737 = arith.muli %scan3A_106, %mul3A_736 : i32
        %add3A_738 = arith.constant 9 : i32
        %add3A_739 = arith.addi %mul3A_737, %add3A_738 : i32
        %add3A_740 = arith.constant 32 : i32
        %add3A_741 = arith.addi %squeeze3A_703, %add3A_740 : i32
        %get3A_742 = arith.index_cast %add3A_739 : i32 to index
        %get3A_743 = arith.index_cast %add3A_741 : i32 to index
        %get3A_744 = tpu.vector_load %arg8[%get3A_742, %get3A_743] {strides = array<i32>} : memref<400x128xf32, #tpu.memory_space<vmem>>, vector<16xf32>,
        %mul3A_745 = arith.constant 8 : i32
        %mul3A_746 = arith.muli %scan3A_106, %mul3A_745 : i32
        %add3A_747 = arith.constant 4 : i32
        %add3A_748 = arith.addi %mul3A_746, %add3A_747 : i32
        %swap3A_749 = arith.index_cast %add3A_748 : i32 to index
        %swap3A_750 = arith.constant 96 : index
        %swap3A_751 = tpu.vector_load %arg9[%swap3A_749, %swap3A_750] {strides = array<i32>} : memref<200x128xf32, #tpu.memory_space<vmem>>, vector<16xf32>,
        tpu.vector_store %arg9[%swap3A_749, %swap3A_750], %get3A_744 {strides = array<i32>} : memref<200x128xf32, #tpu.memory_space<vmem>>, vector<16xf32>,
        %mul3A_752 = arith.constant 16 : i32
        %mul3A_753 = arith.muli %scan3A_106, %mul3A_752 : i32
        %add3A_754 = arith.constant 9 : i32
        %add3A_755 = arith.addi %mul3A_753, %add3A_754 : i32
        %add3A_756 = arith.constant 48 : i32
        %add3A_757 = arith.addi %squeeze3A_703, %add3A_756 : i32
        %get3A_758 = arith.index_cast %add3A_755 : i32 to index
        %get3A_759 = arith.index_cast %add3A_757 : i32 to index
        %get3A_760 = tpu.vector_load %arg8[%get3A_758, %get3A_759] {strides = array<i32>} : memref<400x128xf32, #tpu.memory_space<vmem>>, vector<16xf32>,
        %mul3A_761 = arith.constant 8 : i32
        %mul3A_762 = arith.muli %scan3A_106, %mul3A_761 : i32
        %add3A_763 = arith.constant 4 : i32
        %add3A_764 = arith.addi %mul3A_762, %add3A_763 : i32
        %swap3A_765 = arith.index_cast %add3A_764 : i32 to index
        %swap3A_766 = arith.constant 112 : index
        %swap3A_767 = tpu.vector_load %arg9[%swap3A_765, %swap3A_766] {strides = array<i32>} : memref<200x128xf32, #tpu.memory_space<vmem>>, vector<16xf32>,
        tpu.vector_store %arg9[%swap3A_765, %swap3A_766], %get3A_760 {strides = array<i32>} : memref<200x128xf32, #tpu.memory_space<vmem>>, vector<16xf32>,
        %slice3A_768 = vector.extract_strided_slice %get3A_110 {offsets = [10], sizes = [1], strides = [1]} : vector<16xi32> to vector<1xi32>
        %squeeze3A_769 = vector.extract %slice3A_768[0] : i32 from vector<1xi32>
        %mul3A_770 = arith.constant 16 : i32
        %mul3A_771 = arith.muli %scan3A_106, %mul3A_770 : i32
        %add3A_772 = arith.constant 10 : i32
        %add3A_773 = arith.addi %mul3A_771, %add3A_772 : i32
        %add3A_774 = arith.constant 0 : i32
        %add3A_775 = arith.addi %squeeze3A_769, %add3A_774 : i32
        %get3A_776 = arith.index_cast %add3A_773 : i32 to index
        %get3A_777 = arith.index_cast %add3A_775 : i32 to index
        %get3A_778 = tpu.vector_load %arg8[%get3A_776, %get3A_777] {strides = array<i32>} : memref<400x128xf32, #tpu.memory_space<vmem>>, vector<16xf32>,
        %mul3A_779 = arith.constant 8 : i32
        %mul3A_780 = arith.muli %scan3A_106, %mul3A_779 : i32
        %add3A_781 = arith.constant 5 : i32
        %add3A_782 = arith.addi %mul3A_780, %add3A_781 : i32
        %swap3A_783 = arith.index_cast %add3A_782 : i32 to index
        %swap3A_784 = arith.constant 0 : index
        %swap3A_785 = tpu.vector_load %arg9[%swap3A_783, %swap3A_784] {strides = array<i32>} : memref<200x128xf32, #tpu.memory_space<vmem>>, vector<16xf32>,
        tpu.vector_store %arg9[%swap3A_783, %swap3A_784], %get3A_778 {strides = array<i32>} : memref<200x128xf32, #tpu.memory_space<vmem>>, vector<16xf32>,
        %mul3A_786 = arith.constant 16 : i32
        %mul3A_787 = arith.muli %scan3A_106, %mul3A_786 : i32
        %add3A_788 = arith.constant 10 : i32
        %add3A_789 = arith.addi %mul3A_787, %add3A_788 : i32
        %add3A_790 = arith.constant 16 : i32
        %add3A_791 = arith.addi %squeeze3A_769, %add3A_790 : i32
        %get3A_792 = arith.index_cast %add3A_789 : i32 to index
        %get3A_793 = arith.index_cast %add3A_791 : i32 to index
        %get3A_794 = tpu.vector_load %arg8[%get3A_792, %get3A_793] {strides = array<i32>} : memref<400x128xf32, #tpu.memory_space<vmem>>, vector<16xf32>,
        %mul3A_795 = arith.constant 8 : i32
        %mul3A_796 = arith.muli %scan3A_106, %mul3A_795 : i32
        %add3A_797 = arith.constant 5 : i32
        %add3A_798 = arith.addi %mul3A_796, %add3A_797 : i32
        %swap3A_799 = arith.index_cast %add3A_798 : i32 to index
        %swap3A_800 = arith.constant 16 : index
        %swap3A_801 = tpu.vector_load %arg9[%swap3A_799, %swap3A_800] {strides = array<i32>} : memref<200x128xf32, #tpu.memory_space<vmem>>, vector<16xf32>,
        tpu.vector_store %arg9[%swap3A_799, %swap3A_800], %get3A_794 {strides = array<i32>} : memref<200x128xf32, #tpu.memory_space<vmem>>, vector<16xf32>,
        %mul3A_802 = arith.constant 16 : i32
        %mul3A_803 = arith.muli %scan3A_106, %mul3A_802 : i32
        %add3A_804 = arith.constant 10 : i32
        %add3A_805 = arith.addi %mul3A_803, %add3A_804 : i32
        %add3A_806 = arith.constant 32 : i32
        %add3A_807 = arith.addi %squeeze3A_769, %add3A_806 : i32
        %get3A_808 = arith.index_cast %add3A_805 : i32 to index
        %get3A_809 = arith.index_cast %add3A_807 : i32 to index
        %get3A_810 = tpu.vector_load %arg8[%get3A_808, %get3A_809] {strides = array<i32>} : memref<400x128xf32, #tpu.memory_space<vmem>>, vector<16xf32>,
        %mul3A_811 = arith.constant 8 : i32
        %mul3A_812 = arith.muli %scan3A_106, %mul3A_811 : i32
        %add3A_813 = arith.constant 5 : i32
        %add3A_814 = arith.addi %mul3A_812, %add3A_813 : i32
        %swap3A_815 = arith.index_cast %add3A_814 : i32 to index
        %swap3A_816 = arith.constant 32 : index
        %swap3A_817 = tpu.vector_load %arg9[%swap3A_815, %swap3A_816] {strides = array<i32>} : memref<200x128xf32, #tpu.memory_space<vmem>>, vector<16xf32>,
        tpu.vector_store %arg9[%swap3A_815, %swap3A_816], %get3A_810 {strides = array<i32>} : memref<200x128xf32, #tpu.memory_space<vmem>>, vector<16xf32>,
        %mul3A_818 = arith.constant 16 : i32
        %mul3A_819 = arith.muli %scan3A_106, %mul3A_818 : i32
        %add3A_820 = arith.constant 10 : i32
        %add3A_821 = arith.addi %mul3A_819, %add3A_820 : i32
        %add3A_822 = arith.constant 48 : i32
        %add3A_823 = arith.addi %squeeze3A_769, %add3A_822 : i32
        %get3A_824 = arith.index_cast %add3A_821 : i32 to index
        %get3A_825 = arith.index_cast %add3A_823 : i32 to index
        %get3A_826 = tpu.vector_load %arg8[%get3A_824, %get3A_825] {strides = array<i32>} : memref<400x128xf32, #tpu.memory_space<vmem>>, vector<16xf32>,
        %mul3A_827 = arith.constant 8 : i32
        %mul3A_828 = arith.muli %scan3A_106, %mul3A_827 : i32
        %add3A_829 = arith.constant 5 : i32
        %add3A_830 = arith.addi %mul3A_828, %add3A_829 : i32
        %swap3A_831 = arith.index_cast %add3A_830 : i32 to index
        %swap3A_832 = arith.constant 48 : index
        %swap3A_833 = tpu.vector_load %arg9[%swap3A_831, %swap3A_832] {strides = array<i32>} : memref<200x128xf32, #tpu.memory_space<vmem>>, vector<16xf32>,
        tpu.vector_store %arg9[%swap3A_831, %swap3A_832], %get3A_826 {strides = array<i32>} : memref<200x128xf32, #tpu.memory_space<vmem>>, vector<16xf32>,
        %slice3A_834 = vector.extract_strided_slice %get3A_110 {offsets = [11], sizes = [1], strides = [1]} : vector<16xi32> to vector<1xi32>
        %squeeze3A_835 = vector.extract %slice3A_834[0] : i32 from vector<1xi32>
        %mul3A_836 = arith.constant 16 : i32
        %mul3A_837 = arith.muli %scan3A_106, %mul3A_836 : i32
        %add3A_838 = arith.constant 11 : i32
        %add3A_839 = arith.addi %mul3A_837, %add3A_838 : i32
        %add3A_840 = arith.constant 0 : i32
        %add3A_841 = arith.addi %squeeze3A_835, %add3A_840 : i32
        %get3A_842 = arith.index_cast %add3A_839 : i32 to index
        %get3A_843 = arith.index_cast %add3A_841 : i32 to index
        %get3A_844 = tpu.vector_load %arg8[%get3A_842, %get3A_843] {strides = array<i32>} : memref<400x128xf32, #tpu.memory_space<vmem>>, vector<16xf32>,
        %mul3A_845 = arith.constant 8 : i32
        %mul3A_846 = arith.muli %scan3A_106, %mul3A_845 : i32
        %add3A_847 = arith.constant 5 : i32
        %add3A_848 = arith.addi %mul3A_846, %add3A_847 : i32
        %swap3A_849 = arith.index_cast %add3A_848 : i32 to index
        %swap3A_850 = arith.constant 64 : index
        %swap3A_851 = tpu.vector_load %arg9[%swap3A_849, %swap3A_850] {strides = array<i32>} : memref<200x128xf32, #tpu.memory_space<vmem>>, vector<16xf32>,
        tpu.vector_store %arg9[%swap3A_849, %swap3A_850], %get3A_844 {strides = array<i32>} : memref<200x128xf32, #tpu.memory_space<vmem>>, vector<16xf32>,
        %mul3A_852 = arith.constant 16 : i32
        %mul3A_853 = arith.muli %scan3A_106, %mul3A_852 : i32
        %add3A_854 = arith.constant 11 : i32
        %add3A_855 = arith.addi %mul3A_853, %add3A_854 : i32
        %add3A_856 = arith.constant 16 : i32
        %add3A_857 = arith.addi %squeeze3A_835, %add3A_856 : i32
        %get3A_858 = arith.index_cast %add3A_855 : i32 to index
        %get3A_859 = arith.index_cast %add3A_857 : i32 to index
        %get3A_860 = tpu.vector_load %arg8[%get3A_858, %get3A_859] {strides = array<i32>} : memref<400x128xf32, #tpu.memory_space<vmem>>, vector<16xf32>,
        %mul3A_861 = arith.constant 8 : i32
        %mul3A_862 = arith.muli %scan3A_106, %mul3A_861 : i32
        %add3A_863 = arith.constant 5 : i32
        %add3A_864 = arith.addi %mul3A_862, %add3A_863 : i32
        %swap3A_865 = arith.index_cast %add3A_864 : i32 to index
        %swap3A_866 = arith.constant 80 : index
        %swap3A_867 = tpu.vector_load %arg9[%swap3A_865, %swap3A_866] {strides = array<i32>} : memref<200x128xf32, #tpu.memory_space<vmem>>, vector<16xf32>,
        tpu.vector_store %arg9[%swap3A_865, %swap3A_866], %get3A_860 {strides = array<i32>} : memref<200x128xf32, #tpu.memory_space<vmem>>, vector<16xf32>,
        %mul3A_868 = arith.constant 16 : i32
        %mul3A_869 = arith.muli %scan3A_106, %mul3A_868 : i32
        %add3A_870 = arith.constant 11 : i32
        %add3A_871 = arith.addi %mul3A_869, %add3A_870 : i32
        %add3A_872 = arith.constant 32 : i32
        %add3A_873 = arith.addi %squeeze3A_835, %add3A_872 : i32
        %get3A_874 = arith.index_cast %add3A_871 : i32 to index
        %get3A_875 = arith.index_cast %add3A_873 : i32 to index
        %get3A_876 = tpu.vector_load %arg8[%get3A_874, %get3A_875] {strides = array<i32>} : memref<400x128xf32, #tpu.memory_space<vmem>>, vector<16xf32>,
        %mul3A_877 = arith.constant 8 : i32
        %mul3A_878 = arith.muli %scan3A_106, %mul3A_877 : i32
        %add3A_879 = arith.constant 5 : i32
        %add3A_880 = arith.addi %mul3A_878, %add3A_879 : i32
        %swap3A_881 = arith.index_cast %add3A_880 : i32 to index
        %swap3A_882 = arith.constant 96 : index
        %swap3A_883 = tpu.vector_load %arg9[%swap3A_881, %swap3A_882] {strides = array<i32>} : memref<200x128xf32, #tpu.memory_space<vmem>>, vector<16xf32>,
        tpu.vector_store %arg9[%swap3A_881, %swap3A_882], %get3A_876 {strides = array<i32>} : memref<200x128xf32, #tpu.memory_space<vmem>>, vector<16xf32>,
        %mul3A_884 = arith.constant 16 : i32
        %mul3A_885 = arith.muli %scan3A_106, %mul3A_884 : i32
        %add3A_886 = arith.constant 11 : i32
        %add3A_887 = arith.addi %mul3A_885, %add3A_886 : i32
        %add3A_888 = arith.constant 48 : i32
        %add3A_889 = arith.addi %squeeze3A_835, %add3A_888 : i32
        %get3A_890 = arith.index_cast %add3A_887 : i32 to index
        %get3A_891 = arith.index_cast %add3A_889 : i32 to index
        %get3A_892 = tpu.vector_load %arg8[%get3A_890, %get3A_891] {strides = array<i32>} : memref<400x128xf32, #tpu.memory_space<vmem>>, vector<16xf32>,
        %mul3A_893 = arith.constant 8 : i32
        %mul3A_894 = arith.muli %scan3A_106, %mul3A_893 : i32
        %add3A_895 = arith.constant 5 : i32
        %add3A_896 = arith.addi %mul3A_894, %add3A_895 : i32
        %swap3A_897 = arith.index_cast %add3A_896 : i32 to index
        %swap3A_898 = arith.constant 112 : index
        %swap3A_899 = tpu.vector_load %arg9[%swap3A_897, %swap3A_898] {strides = array<i32>} : memref<200x128xf32, #tpu.memory_space<vmem>>, vector<16xf32>,
        tpu.vector_store %arg9[%swap3A_897, %swap3A_898], %get3A_892 {strides = array<i32>} : memref<200x128xf32, #tpu.memory_space<vmem>>, vector<16xf32>,
        %slice3A_900 = vector.extract_strided_slice %get3A_110 {offsets = [12], sizes = [1], strides = [1]} : vector<16xi32> to vector<1xi32>
        %squeeze3A_901 = vector.extract %slice3A_900[0] : i32 from vector<1xi32>
        %mul3A_902 = arith.constant 16 : i32
        %mul3A_903 = arith.muli %scan3A_106, %mul3A_902 : i32
        %add3A_904 = arith.constant 12 : i32
        %add3A_905 = arith.addi %mul3A_903, %add3A_904 : i32
        %add3A_906 = arith.constant 0 : i32
        %add3A_907 = arith.addi %squeeze3A_901, %add3A_906 : i32
        %get3A_908 = arith.index_cast %add3A_905 : i32 to index
        %get3A_909 = arith.index_cast %add3A_907 : i32 to index
        %get3A_910 = tpu.vector_load %arg8[%get3A_908, %get3A_909] {strides = array<i32>} : memref<400x128xf32, #tpu.memory_space<vmem>>, vector<16xf32>,
        %mul3A_911 = arith.constant 8 : i32
        %mul3A_912 = arith.muli %scan3A_106, %mul3A_911 : i32
        %add3A_913 = arith.constant 6 : i32
        %add3A_914 = arith.addi %mul3A_912, %add3A_913 : i32
        %swap3A_915 = arith.index_cast %add3A_914 : i32 to index
        %swap3A_916 = arith.constant 0 : index
        %swap3A_917 = tpu.vector_load %arg9[%swap3A_915, %swap3A_916] {strides = array<i32>} : memref<200x128xf32, #tpu.memory_space<vmem>>, vector<16xf32>,
        tpu.vector_store %arg9[%swap3A_915, %swap3A_916], %get3A_910 {strides = array<i32>} : memref<200x128xf32, #tpu.memory_space<vmem>>, vector<16xf32>,
        %mul3A_918 = arith.constant 16 : i32
        %mul3A_919 = arith.muli %scan3A_106, %mul3A_918 : i32
        %add3A_920 = arith.constant 12 : i32
        %add3A_921 = arith.addi %mul3A_919, %add3A_920 : i32
        %add3A_922 = arith.constant 16 : i32
        %add3A_923 = arith.addi %squeeze3A_901, %add3A_922 : i32
        %get3A_924 = arith.index_cast %add3A_921 : i32 to index
        %get3A_925 = arith.index_cast %add3A_923 : i32 to index
        %get3A_926 = tpu.vector_load %arg8[%get3A_924, %get3A_925] {strides = array<i32>} : memref<400x128xf32, #tpu.memory_space<vmem>>, vector<16xf32>,
        %mul3A_927 = arith.constant 8 : i32
        %mul3A_928 = arith.muli %scan3A_106, %mul3A_927 : i32
        %add3A_929 = arith.constant 6 : i32
        %add3A_930 = arith.addi %mul3A_928, %add3A_929 : i32
        %swap3A_931 = arith.index_cast %add3A_930 : i32 to index
        %swap3A_932 = arith.constant 16 : index
        %swap3A_933 = tpu.vector_load %arg9[%swap3A_931, %swap3A_932] {strides = array<i32>} : memref<200x128xf32, #tpu.memory_space<vmem>>, vector<16xf32>,
        tpu.vector_store %arg9[%swap3A_931, %swap3A_932], %get3A_926 {strides = array<i32>} : memref<200x128xf32, #tpu.memory_space<vmem>>, vector<16xf32>,
        %mul3A_934 = arith.constant 16 : i32
        %mul3A_935 = arith.muli %scan3A_106, %mul3A_934 : i32
        %add3A_936 = arith.constant 12 : i32
        %add3A_937 = arith.addi %mul3A_935, %add3A_936 : i32
        %add3A_938 = arith.constant 32 : i32
        %add3A_939 = arith.addi %squeeze3A_901, %add3A_938 : i32
        %get3A_940 = arith.index_cast %add3A_937 : i32 to index
        %get3A_941 = arith.index_cast %add3A_939 : i32 to index
        %get3A_942 = tpu.vector_load %arg8[%get3A_940, %get3A_941] {strides = array<i32>} : memref<400x128xf32, #tpu.memory_space<vmem>>, vector<16xf32>,
        %mul3A_943 = arith.constant 8 : i32
        %mul3A_944 = arith.muli %scan3A_106, %mul3A_943 : i32
        %add3A_945 = arith.constant 6 : i32
        %add3A_946 = arith.addi %mul3A_944, %add3A_945 : i32
        %swap3A_947 = arith.index_cast %add3A_946 : i32 to index
        %swap3A_948 = arith.constant 32 : index
        %swap3A_949 = tpu.vector_load %arg9[%swap3A_947, %swap3A_948] {strides = array<i32>} : memref<200x128xf32, #tpu.memory_space<vmem>>, vector<16xf32>,
        tpu.vector_store %arg9[%swap3A_947, %swap3A_948], %get3A_942 {strides = array<i32>} : memref<200x128xf32, #tpu.memory_space<vmem>>, vector<16xf32>,
        %mul3A_950 = arith.constant 16 : i32
        %mul3A_951 = arith.muli %scan3A_106, %mul3A_950 : i32
        %add3A_952 = arith.constant 12 : i32
        %add3A_953 = arith.addi %mul3A_951, %add3A_952 : i32
        %add3A_954 = arith.constant 48 : i32
        %add3A_955 = arith.addi %squeeze3A_901, %add3A_954 : i32
        %get3A_956 = arith.index_cast %add3A_953 : i32 to index
        %get3A_957 = arith.index_cast %add3A_955 : i32 to index
        %get3A_958 = tpu.vector_load %arg8[%get3A_956, %get3A_957] {strides = array<i32>} : memref<400x128xf32, #tpu.memory_space<vmem>>, vector<16xf32>,
        %mul3A_959 = arith.constant 8 : i32
        %mul3A_960 = arith.muli %scan3A_106, %mul3A_959 : i32
        %add3A_961 = arith.constant 6 : i32
        %add3A_962 = arith.addi %mul3A_960, %add3A_961 : i32
        %swap3A_963 = arith.index_cast %add3A_962 : i32 to index
        %swap3A_964 = arith.constant 48 : index
        %swap3A_965 = tpu.vector_load %arg9[%swap3A_963, %swap3A_964] {strides = array<i32>} : memref<200x128xf32, #tpu.memory_space<vmem>>, vector<16xf32>,
        tpu.vector_store %arg9[%swap3A_963, %swap3A_964], %get3A_958 {strides = array<i32>} : memref<200x128xf32, #tpu.memory_space<vmem>>, vector<16xf32>,
        %slice3A_966 = vector.extract_strided_slice %get3A_110 {offsets = [13], sizes = [1], strides = [1]} : vector<16xi32> to vector<1xi32>
        %squeeze3A_967 = vector.extract %slice3A_966[0] : i32 from vector<1xi32>
        %mul3A_968 = arith.constant 16 : i32
        %mul3A_969 = arith.muli %scan3A_106, %mul3A_968 : i32
        %add3A_970 = arith.constant 13 : i32
        %add3A_971 = arith.addi %mul3A_969, %add3A_970 : i32
        %add3A_972 = arith.constant 0 : i32
        %add3A_973 = arith.addi %squeeze3A_967, %add3A_972 : i32
        %get3A_974 = arith.index_cast %add3A_971 : i32 to index
        %get3A_975 = arith.index_cast %add3A_973 : i32 to index
        %get3A_976 = tpu.vector_load %arg8[%get3A_974, %get3A_975] {strides = array<i32>} : memref<400x128xf32, #tpu.memory_space<vmem>>, vector<16xf32>,
        %mul3A_977 = arith.constant 8 : i32
        %mul3A_978 = arith.muli %scan3A_106, %mul3A_977 : i32
        %add3A_979 = arith.constant 6 : i32
        %add3A_980 = arith.addi %mul3A_978, %add3A_979 : i32
        %swap3A_981 = arith.index_cast %add3A_980 : i32 to index
        %swap3A_982 = arith.constant 64 : index
        %swap3A_983 = tpu.vector_load %arg9[%swap3A_981, %swap3A_982] {strides = array<i32>} : memref<200x128xf32, #tpu.memory_space<vmem>>, vector<16xf32>,
        tpu.vector_store %arg9[%swap3A_981, %swap3A_982], %get3A_976 {strides = array<i32>} : memref<200x128xf32, #tpu.memory_space<vmem>>, vector<16xf32>,
        %mul3A_984 = arith.constant 16 : i32
        %mul3A_985 = arith.muli %scan3A_106, %mul3A_984 : i32
        %add3A_986 = arith.constant 13 : i32
        %add3A_987 = arith.addi %mul3A_985, %add3A_986 : i32
        %add3A_988 = arith.constant 16 : i32
        %add3A_989 = arith.addi %squeeze3A_967, %add3A_988 : i32
        %get3A_990 = arith.index_cast %add3A_987 : i32 to index
        %get3A_991 = arith.index_cast %add3A_989 : i32 to index
        %get3A_992 = tpu.vector_load %arg8[%get3A_990, %get3A_991] {strides = array<i32>} : memref<400x128xf32, #tpu.memory_space<vmem>>, vector<16xf32>,
        %mul3A_993 = arith.constant 8 : i32
        %mul3A_994 = arith.muli %scan3A_106, %mul3A_993 : i32
        %add3A_995 = arith.constant 6 : i32
        %add3A_996 = arith.addi %mul3A_994, %add3A_995 : i32
        %swap3A_997 = arith.index_cast %add3A_996 : i32 to index
        %swap3A_998 = arith.constant 80 : index
        %swap3A_999 = tpu.vector_load %arg9[%swap3A_997, %swap3A_998] {strides = array<i32>} : memref<200x128xf32, #tpu.memory_space<vmem>>, vector<16xf32>,
        tpu.vector_store %arg9[%swap3A_997, %swap3A_998], %get3A_992 {strides = array<i32>} : memref<200x128xf32, #tpu.memory_space<vmem>>, vector<16xf32>,
        %mul3A_1000 = arith.constant 16 : i32
        %mul3A_1001 = arith.muli %scan3A_106, %mul3A_1000 : i32
        %add3A_1002 = arith.constant 13 : i32
        %add3A_1003 = arith.addi %mul3A_1001, %add3A_1002 : i32
        %add3A_1004 = arith.constant 32 : i32
        %add3A_1005 = arith.addi %squeeze3A_967, %add3A_1004 : i32
        %get3A_1006 = arith.index_cast %add3A_1003 : i32 to index
        %get3A_1007 = arith.index_cast %add3A_1005 : i32 to index
        %get3A_1008 = tpu.vector_load %arg8[%get3A_1006, %get3A_1007] {strides = array<i32>} : memref<400x128xf32, #tpu.memory_space<vmem>>, vector<16xf32>,
        %mul3A_1009 = arith.constant 8 : i32
        %mul3A_1010 = arith.muli %scan3A_106, %mul3A_1009 : i32
        %add3A_1011 = arith.constant 6 : i32
        %add3A_1012 = arith.addi %mul3A_1010, %add3A_1011 : i32
        %swap3A_1013 = arith.index_cast %add3A_1012 : i32 to index
        %swap3A_1014 = arith.constant 96 : index
        %swap3A_1015 = tpu.vector_load %arg9[%swap3A_1013, %swap3A_1014] {strides = array<i32>} : memref<200x128xf32, #tpu.memory_space<vmem>>, vector<16xf32>,
        tpu.vector_store %arg9[%swap3A_1013, %swap3A_1014], %get3A_1008 {strides = array<i32>} : memref<200x128xf32, #tpu.memory_space<vmem>>, vector<16xf32>,
        %mul3A_1016 = arith.constant 16 : i32
        %mul3A_1017 = arith.muli %scan3A_106, %mul3A_1016 : i32
        %add3A_1018 = arith.constant 13 : i32
        %add3A_1019 = arith.addi %mul3A_1017, %add3A_1018 : i32
        %add3A_1020 = arith.constant 48 : i32
        %add3A_1021 = arith.addi %squeeze3A_967, %add3A_1020 : i32
        %get3A_1022 = arith.index_cast %add3A_1019 : i32 to index
        %get3A_1023 = arith.index_cast %add3A_1021 : i32 to index
        %get3A_1024 = tpu.vector_load %arg8[%get3A_1022, %get3A_1023] {strides = array<i32>} : memref<400x128xf32, #tpu.memory_space<vmem>>, vector<16xf32>,
        %mul3A_1025 = arith.constant 8 : i32
        %mul3A_1026 = arith.muli %scan3A_106, %mul3A_1025 : i32
        %add3A_1027 = arith.constant 6 : i32
        %add3A_1028 = arith.addi %mul3A_1026, %add3A_1027 : i32
        %swap3A_1029 = arith.index_cast %add3A_1028 : i32 to index
        %swap3A_1030 = arith.constant 112 : index
        %swap3A_1031 = tpu.vector_load %arg9[%swap3A_1029, %swap3A_1030] {strides = array<i32>} : memref<200x128xf32, #tpu.memory_space<vmem>>, vector<16xf32>,
        tpu.vector_store %arg9[%swap3A_1029, %swap3A_1030], %get3A_1024 {strides = array<i32>} : memref<200x128xf32, #tpu.memory_space<vmem>>, vector<16xf32>,
        %slice3A_1032 = vector.extract_strided_slice %get3A_110 {offsets = [14], sizes = [1], strides = [1]} : vector<16xi32> to vector<1xi32>
        %squeeze3A_1033 = vector.extract %slice3A_1032[0] : i32 from vector<1xi32>
        %mul3A_1034 = arith.constant 16 : i32
        %mul3A_1035 = arith.muli %scan3A_106, %mul3A_1034 : i32
        %add3A_1036 = arith.constant 14 : i32
        %add3A_1037 = arith.addi %mul3A_1035, %add3A_1036 : i32
        %add3A_1038 = arith.constant 0 : i32
        %add3A_1039 = arith.addi %squeeze3A_1033, %add3A_1038 : i32
        %get3A_1040 = arith.index_cast %add3A_1037 : i32 to index
        %get3A_1041 = arith.index_cast %add3A_1039 : i32 to index
        %get3A_1042 = tpu.vector_load %arg8[%get3A_1040, %get3A_1041] {strides = array<i32>} : memref<400x128xf32, #tpu.memory_space<vmem>>, vector<16xf32>,
        %mul3A_1043 = arith.constant 8 : i32
        %mul3A_1044 = arith.muli %scan3A_106, %mul3A_1043 : i32
        %add3A_1045 = arith.constant 7 : i32
        %add3A_1046 = arith.addi %mul3A_1044, %add3A_1045 : i32
        %swap3A_1047 = arith.index_cast %add3A_1046 : i32 to index
        %swap3A_1048 = arith.constant 0 : index
        %swap3A_1049 = tpu.vector_load %arg9[%swap3A_1047, %swap3A_1048] {strides = array<i32>} : memref<200x128xf32, #tpu.memory_space<vmem>>, vector<16xf32>,
        tpu.vector_store %arg9[%swap3A_1047, %swap3A_1048], %get3A_1042 {strides = array<i32>} : memref<200x128xf32, #tpu.memory_space<vmem>>, vector<16xf32>,
        %mul3A_1050 = arith.constant 16 : i32
        %mul3A_1051 = arith.muli %scan3A_106, %mul3A_1050 : i32
        %add3A_1052 = arith.constant 14 : i32
        %add3A_1053 = arith.addi %mul3A_1051, %add3A_1052 : i32
        %add3A_1054 = arith.constant 16 : i32
        %add3A_1055 = arith.addi %squeeze3A_1033, %add3A_1054 : i32
        %get3A_1056 = arith.index_cast %add3A_1053 : i32 to index
        %get3A_1057 = arith.index_cast %add3A_1055 : i32 to index
        %get3A_1058 = tpu.vector_load %arg8[%get3A_1056, %get3A_1057] {strides = array<i32>} : memref<400x128xf32, #tpu.memory_space<vmem>>, vector<16xf32>,
        %mul3A_1059 = arith.constant 8 : i32
        %mul3A_1060 = arith.muli %scan3A_106, %mul3A_1059 : i32
        %add3A_1061 = arith.constant 7 : i32
        %add3A_1062 = arith.addi %mul3A_1060, %add3A_1061 : i32
        %swap3A_1063 = arith.index_cast %add3A_1062 : i32 to index
        %swap3A_1064 = arith.constant 16 : index
        %swap3A_1065 = tpu.vector_load %arg9[%swap3A_1063, %swap3A_1064] {strides = array<i32>} : memref<200x128xf32, #tpu.memory_space<vmem>>, vector<16xf32>,
        tpu.vector_store %arg9[%swap3A_1063, %swap3A_1064], %get3A_1058 {strides = array<i32>} : memref<200x128xf32, #tpu.memory_space<vmem>>, vector<16xf32>,
        %mul3A_1066 = arith.constant 16 : i32
        %mul3A_1067 = arith.muli %scan3A_106, %mul3A_1066 : i32
        %add3A_1068 = arith.constant 14 : i32
        %add3A_1069 = arith.addi %mul3A_1067, %add3A_1068 : i32
        %add3A_1070 = arith.constant 32 : i32
        %add3A_1071 = arith.addi %squeeze3A_1033, %add3A_1070 : i32
        %get3A_1072 = arith.index_cast %add3A_1069 : i32 to index
        %get3A_1073 = arith.index_cast %add3A_1071 : i32 to index
        %get3A_1074 = tpu.vector_load %arg8[%get3A_1072, %get3A_1073] {strides = array<i32>} : memref<400x128xf32, #tpu.memory_space<vmem>>, vector<16xf32>,
        %mul3A_1075 = arith.constant 8 : i32
        %mul3A_1076 = arith.muli %scan3A_106, %mul3A_1075 : i32
        %add3A_1077 = arith.constant 7 : i32
        %add3A_1078 = arith.addi %mul3A_1076, %add3A_1077 : i32
        %swap3A_1079 = arith.index_cast %add3A_1078 : i32 to index
        %swap3A_1080 = arith.constant 32 : index
        %swap3A_1081 = tpu.vector_load %arg9[%swap3A_1079, %swap3A_1080] {strides = array<i32>} : memref<200x128xf32, #tpu.memory_space<vmem>>, vector<16xf32>,
        tpu.vector_store %arg9[%swap3A_1079, %swap3A_1080], %get3A_1074 {strides = array<i32>} : memref<200x128xf32, #tpu.memory_space<vmem>>, vector<16xf32>,
        %mul3A_1082 = arith.constant 16 : i32
        %mul3A_1083 = arith.muli %scan3A_106, %mul3A_1082 : i32
        %add3A_1084 = arith.constant 14 : i32
        %add3A_1085 = arith.addi %mul3A_1083, %add3A_1084 : i32
        %add3A_1086 = arith.constant 48 : i32
        %add3A_1087 = arith.addi %squeeze3A_1033, %add3A_1086 : i32
        %get3A_1088 = arith.index_cast %add3A_1085 : i32 to index
        %get3A_1089 = arith.index_cast %add3A_1087 : i32 to index
        %get3A_1090 = tpu.vector_load %arg8[%get3A_1088, %get3A_1089] {strides = array<i32>} : memref<400x128xf32, #tpu.memory_space<vmem>>, vector<16xf32>,
        %mul3A_1091 = arith.constant 8 : i32
        %mul3A_1092 = arith.muli %scan3A_106, %mul3A_1091 : i32
        %add3A_1093 = arith.constant 7 : i32
        %add3A_1094 = arith.addi %mul3A_1092, %add3A_1093 : i32
        %swap3A_1095 = arith.index_cast %add3A_1094 : i32 to index
        %swap3A_1096 = arith.constant 48 : index
        %swap3A_1097 = tpu.vector_load %arg9[%swap3A_1095, %swap3A_1096] {strides = array<i32>} : memref<200x128xf32, #tpu.memory_space<vmem>>, vector<16xf32>,
        tpu.vector_store %arg9[%swap3A_1095, %swap3A_1096], %get3A_1090 {strides = array<i32>} : memref<200x128xf32, #tpu.memory_space<vmem>>, vector<16xf32>,
        %slice3A_1098 = vector.extract_strided_slice %get3A_110 {offsets = [15], sizes = [1], strides = [1]} : vector<16xi32> to vector<1xi32>
        %squeeze3A_1099 = vector.extract %slice3A_1098[0] : i32 from vector<1xi32>
        %mul3A_1100 = arith.constant 16 : i32
        %mul3A_1101 = arith.muli %scan3A_106, %mul3A_1100 : i32
        %add3A_1102 = arith.constant 15 : i32
        %add3A_1103 = arith.addi %mul3A_1101, %add3A_1102 : i32
        %add3A_1104 = arith.constant 0 : i32
        %add3A_1105 = arith.addi %squeeze3A_1099, %add3A_1104 : i32
        %get3A_1106 = arith.index_cast %add3A_1103 : i32 to index
        %get3A_1107 = arith.index_cast %add3A_1105 : i32 to index
        %get3A_1108 = tpu.vector_load %arg8[%get3A_1106, %get3A_1107] {strides = array<i32>} : memref<400x128xf32, #tpu.memory_space<vmem>>, vector<16xf32>,
        %mul3A_1109 = arith.constant 8 : i32
        %mul3A_1110 = arith.muli %scan3A_106, %mul3A_1109 : i32
        %add3A_1111 = arith.constant 7 : i32
        %add3A_1112 = arith.addi %mul3A_1110, %add3A_1111 : i32
        %swap3A_1113 = arith.index_cast %add3A_1112 : i32 to index
        %swap3A_1114 = arith.constant 64 : index
        %swap3A_1115 = tpu.vector_load %arg9[%swap3A_1113, %swap3A_1114] {strides = array<i32>} : memref<200x128xf32, #tpu.memory_space<vmem>>, vector<16xf32>,
        tpu.vector_store %arg9[%swap3A_1113, %swap3A_1114], %get3A_1108 {strides = array<i32>} : memref<200x128xf32, #tpu.memory_space<vmem>>, vector<16xf32>,
        %mul3A_1116 = arith.constant 16 : i32
        %mul3A_1117 = arith.muli %scan3A_106, %mul3A_1116 : i32
        %add3A_1118 = arith.constant 15 : i32
        %add3A_1119 = arith.addi %mul3A_1117, %add3A_1118 : i32
        %add3A_1120 = arith.constant 16 : i32
        %add3A_1121 = arith.addi %squeeze3A_1099, %add3A_1120 : i32
        %get3A_1122 = arith.index_cast %add3A_1119 : i32 to index
        %get3A_1123 = arith.index_cast %add3A_1121 : i32 to index
        %get3A_1124 = tpu.vector_load %arg8[%get3A_1122, %get3A_1123] {strides = array<i32>} : memref<400x128xf32, #tpu.memory_space<vmem>>, vector<16xf32>,
        %mul3A_1125 = arith.constant 8 : i32
        %mul3A_1126 = arith.muli %scan3A_106, %mul3A_1125 : i32
        %add3A_1127 = arith.constant 7 : i32
        %add3A_1128 = arith.addi %mul3A_1126, %add3A_1127 : i32
        %swap3A_1129 = arith.index_cast %add3A_1128 : i32 to index
        %swap3A_1130 = arith.constant 80 : index
        %swap3A_1131 = tpu.vector_load %arg9[%swap3A_1129, %swap3A_1130] {strides = array<i32>} : memref<200x128xf32, #tpu.memory_space<vmem>>, vector<16xf32>,
        tpu.vector_store %arg9[%swap3A_1129, %swap3A_1130], %get3A_1124 {strides = array<i32>} : memref<200x128xf32, #tpu.memory_space<vmem>>, vector<16xf32>,
        %mul3A_1132 = arith.constant 16 : i32
        %mul3A_1133 = arith.muli %scan3A_106, %mul3A_1132 : i32
        %add3A_1134 = arith.constant 15 : i32
        %add3A_1135 = arith.addi %mul3A_1133, %add3A_1134 : i32
        %add3A_1136 = arith.constant 32 : i32
        %add3A_1137 = arith.addi %squeeze3A_1099, %add3A_1136 : i32
        %get3A_1138 = arith.index_cast %add3A_1135 : i32 to index
        %get3A_1139 = arith.index_cast %add3A_1137 : i32 to index
        %get3A_1140 = tpu.vector_load %arg8[%get3A_1138, %get3A_1139] {strides = array<i32>} : memref<400x128xf32, #tpu.memory_space<vmem>>, vector<16xf32>,
        %mul3A_1141 = arith.constant 8 : i32
        %mul3A_1142 = arith.muli %scan3A_106, %mul3A_1141 : i32
        %add3A_1143 = arith.constant 7 : i32
        %add3A_1144 = arith.addi %mul3A_1142, %add3A_1143 : i32
        %swap3A_1145 = arith.index_cast %add3A_1144 : i32 to index
        %swap3A_1146 = arith.constant 96 : index
        %swap3A_1147 = tpu.vector_load %arg9[%swap3A_1145, %swap3A_1146] {strides = array<i32>} : memref<200x128xf32, #tpu.memory_space<vmem>>, vector<16xf32>,
        tpu.vector_store %arg9[%swap3A_1145, %swap3A_1146], %get3A_1140 {strides = array<i32>} : memref<200x128xf32, #tpu.memory_space<vmem>>, vector<16xf32>,
        %mul3A_1148 = arith.constant 16 : i32
        %mul3A_1149 = arith.muli %scan3A_106, %mul3A_1148 : i32
        %add3A_1150 = arith.constant 15 : i32
        %add3A_1151 = arith.addi %mul3A_1149, %add3A_1150 : i32
        %add3A_1152 = arith.constant 48 : i32
        %add3A_1153 = arith.addi %squeeze3A_1099, %add3A_1152 : i32
        %get3A_1154 = arith.index_cast %add3A_1151 : i32 to index
        %get3A_1155 = arith.index_cast %add3A_1153 : i32 to index
        %get3A_1156 = tpu.vector_load %arg8[%get3A_1154, %get3A_1155] {strides = array<i32>} : memref<400x128xf32, #tpu.memory_space<vmem>>, vector<16xf32>,
        %mul3A_1157 = arith.constant 8 : i32
        %mul3A_1158 = arith.muli %scan3A_106, %mul3A_1157 : i32
        %add3A_1159 = arith.constant 7 : i32
        %add3A_1160 = arith.addi %mul3A_1158, %add3A_1159 : i32
        %swap3A_1161 = arith.index_cast %add3A_1160 : i32 to index
        %swap3A_1162 = arith.constant 112 : index
        %swap3A_1163 = tpu.vector_load %arg9[%swap3A_1161, %swap3A_1162] {strides = array<i32>} : memref<200x128xf32, #tpu.memory_space<vmem>>, vector<16xf32>,
        tpu.vector_store %arg9[%swap3A_1161, %swap3A_1162], %get3A_1156 {strides = array<i32>} : memref<200x128xf32, #tpu.memory_space<vmem>>, vector<16xf32>,
      }
      %scan3A_102 = arith.constant 25 : i32
      %mul3A_103 = arith.constant 200 : i32
      %mul3A_104 = arith.muli %scan3A_16, %mul3A_103 : i32
      %add3A_105 = arith.addi %mul3A_4, %mul3A_104 : i32
      "tpu.region"() ({
        %run_scoped3A = tpu.sem_alloc : memref<!tpu.dma_semaphore, #tpu.memory_space<semaphore_mem>>
        %dma_start3A_106 = arith.constant 0 : i32
        %dma_start3A_107 = tpu.memref_slice %arg4[%add3A_105, %dma_start3A_106] : memref<102400x128xf32, #tpu.memory_space<hbm>> -> memref<200x128xf32, #tpu.memory_space<hbm>>
        %dma_start3A_108 = arith.constant 0 : i32
        %dma_start3A_109 = tpu.memref_slice %arg4[%add3A_105, %dma_start3A_108] : memref<102400x128xf32, #tpu.memory_space<hbm>> -> memref<200x128xf32, #tpu.memory_space<hbm>>
        tpu.enqueue_dma source(%arg9 : memref<200x128xf32, #tpu.memory_space<vmem>>) target(%dma_start3A_109 : memref<200x128xf32, #tpu.memory_space<hbm>>) target_semaphore(%run_scoped3A : memref<!tpu.dma_semaphore, #tpu.memory_space<semaphore_mem>>)
        %dma_wait3A_110 = arith.constant 0 : i32
        %dma_wait3A_111 = tpu.memref_slice %arg4[%add3A_105, %dma_wait3A_110] : memref<102400x128xf32, #tpu.memory_space<hbm>> -> memref<200x128xf32, #tpu.memory_space<hbm>>
        %dma_wait3A_112 = arith.constant 0 : i32
        %dma_wait3A_113 = tpu.memref_slice %arg4[%add3A_105, %dma_wait3A_112] : memref<102400x128xf32, #tpu.memory_space<hbm>> -> memref<200x128xf32, #tpu.memory_space<hbm>>
        tpu.wait_dma2 semaphore(%run_scoped3A : memref<!tpu.dma_semaphore, #tpu.memory_space<semaphore_mem>>) src(%arg9 : memref<200x128xf32, #tpu.memory_space<vmem>>) dst(%dma_wait3A_113 : memref<200x128xf32, #tpu.memory_space<hbm>>)
        tpu.yield
      }) : () -> ()
    }
    %scan3A_15 = arith.constant 16 : i32
    return
  }
}

module attributes {stable_mosaic.version = 14 : i64} {
  func.func @tck(%arg0: i32, %arg1: memref<64x2688xf32, #tpu.memory_space<vmem>>, %arg2: memref<64x2688xf32, #tpu.memory_space<vmem>>, %arg3: memref<32x128xf32, #tpu.memory_space<vmem>>, %arg4: memref<64x256xf32, #tpu.memory_space<vmem>>, %arg5: memref<2688x128xf32, #tpu.memory_space<vmem>>) attributes {dimension_semantics = [#tpu.dimension_semantics<arbitrary>], iteration_bounds = array<i64: 187>, scalar_prefetch = 0 : i64, scratch_operands = 0 : i64, tpu.core_type = #tpu.core_type<tc>, window_params = [{transform_indices = @transform_0, window_bounds = array<i64: 64, 2688>}, {transform_indices = @transform_1, window_bounds = array<i64: 64, 2688>}, {pipeline_mode = #tpu.pipeline_mode<synchronous>, transform_indices = @transform_2, window_bounds = array<i64: 32, 128>}, {pipeline_mode = #tpu.pipeline_mode<synchronous>, transform_indices = @transform_3, window_bounds = array<i64: 64, 256>}, {transform_indices = @transform_4, window_bounds = array<i64: 2688, 128>}]} {
    %lt3A = arith.constant 186 : i32
    %lt3A_0 = arith.cmpi slt, %arg0, %lt3A : i32
    %convert_element_type3A = arith.extui %lt3A_0 : i1 to i32
    %cond3A = arith.constant 0 : i32
    %cond3A_1 = arith.cmpi ne, %convert_element_type3A, %cond3A : i32
    scf.if %cond3A_1 {
      %get3A = arith.constant 0 : index
      %get3A_6 = arith.constant 0 : index
      %get3A_7 = vector.load %arg1[%get3A, %get3A_6] : memref<64x2688xf32, #tpu.memory_space<vmem>>, vector<64x2688xf32>
      %get3A_8 = arith.constant 0 : index
      %get3A_9 = arith.constant 0 : index
      %get3A_10 = vector.load %arg4[%get3A_8, %get3A_9] : memref<64x256xf32, #tpu.memory_space<vmem>>, vector<64x256xf32>
      %slice3A = vector.extract_strided_slice %get3A_10 {offsets = [0, 0], sizes = [64, 128], strides = [1, 1]} : vector<64x256xf32> to vector<64x128xf32>
      %dot_general3A = arith.constant dense<0.000000e+00> : vector<2688x128xf32>
      %dot_general3A_11 = tpu.matmul %get3A_7, %slice3A, %dot_general3A {dimension_numbers = #tpu.dot_dimension_numbers<[0], [0], [1], [1], [0, 1, 1, 1], [], []>, transpose_lhs_hint = false} : vector<64x2688xf32>, vector<64x128xf32>, vector<2688x128xf32> -> vector<2688x128xf32>
      %get3A_12 = arith.constant 0 : index
      %get3A_13 = arith.constant 0 : index
      %get3A_14 = vector.load %arg2[%get3A_12, %get3A_13] : memref<64x2688xf32, #tpu.memory_space<vmem>>, vector<64x2688xf32>
      %get3A_15 = arith.constant 0 : index
      %get3A_16 = arith.constant 0 : index
      %get3A_17 = vector.load %arg4[%get3A_15, %get3A_16] : memref<64x256xf32, #tpu.memory_space<vmem>>, vector<64x256xf32>
      %slice3A_18 = vector.extract_strided_slice %get3A_17 {offsets = [0, 128], sizes = [64, 128], strides = [1, 1]} : vector<64x256xf32> to vector<64x128xf32>
      %dot_general3A_19 = arith.constant dense<0.000000e+00> : vector<2688x128xf32>
      %dot_general3A_20 = tpu.matmul %get3A_14, %slice3A_18, %dot_general3A_19 {dimension_numbers = #tpu.dot_dimension_numbers<[0], [0], [1], [1], [0, 1, 1, 1], [], []>, transpose_lhs_hint = false} : vector<64x2688xf32>, vector<64x128xf32>, vector<2688x128xf32> -> vector<2688x128xf32>
      %add3A = arith.addf %dot_general3A_11, %dot_general3A_20 : vector<2688x128xf32>
      %swap3A = arith.constant 0 : index
      %swap3A_21 = arith.constant 0 : index
      %swap3A_22 = vector.load %arg5[%swap3A, %swap3A_21] : memref<2688x128xf32, #tpu.memory_space<vmem>>, vector<2688x128xf32>
      tpu.vector_store %arg5[%swap3A, %swap3A_21], %add3A {strides = array<i32>} : memref<2688x128xf32, #tpu.memory_space<vmem>>, vector<2688x128xf32>,
    } else {
    }
    %eq3A = arith.constant 186 : i32
    %eq3A_2 = arith.cmpi eq, %arg0, %eq3A : i32
    %convert_element_type3A_3 = arith.extui %eq3A_2 : i1 to i32
    %cond3A_4 = arith.constant 0 : i32
    %cond3A_5 = arith.cmpi ne, %convert_element_type3A_3, %cond3A_4 : i32
    scf.if %cond3A_5 {
      %get3A = arith.constant 0 : index
      %get3A_6 = arith.constant 0 : index
      %get3A_7 = vector.load %arg3[%get3A, %get3A_6] : memref<32x128xf32, #tpu.memory_space<vmem>>, vector<32x128xf32>
      %broadcast_in_dim3A = arith.constant 0.000000e+00 : f32
      %broadcast_in_dim3A_8 = vector.broadcast %broadcast_in_dim3A : f32 to vector<2656x128xf32>
      %concatenate3A = tpu.concatenate %get3A_7, %broadcast_in_dim3A_8 in 0 : vector<32x128xf32>, vector<2656x128xf32> -> vector<2688x128xf32>
      %swap3A = arith.constant 0 : index
      %swap3A_9 = arith.constant 0 : index
      %swap3A_10 = vector.load %arg5[%swap3A, %swap3A_9] : memref<2688x128xf32, #tpu.memory_space<vmem>>, vector<2688x128xf32>
      tpu.vector_store %arg5[%swap3A, %swap3A_9], %concatenate3A {strides = array<i32>} : memref<2688x128xf32, #tpu.memory_space<vmem>>, vector<2688x128xf32>,
    } else {
    }
    return
  }
  func.func @transform_0(%arg0: i32) -> (i32, i32) {
    %min3A = arith.constant 185 : i32
    %min3A_0 = arith.minsi %arg0, %min3A : i32
    %c0_i32 = arith.constant 0 : i32
    %c0_i32_1 = arith.constant 0 : i32
    return %c0_i32, %min3A_0 : i32, i32
  }
  func.func @transform_1(%arg0: i32) -> (i32, i32) {
    %min3A = arith.constant 185 : i32
    %min3A_0 = arith.minsi %arg0, %min3A : i32
    %add3A = arith.constant 186 : i32
    %add3A_1 = arith.addi %min3A_0, %add3A : i32
    %c0_i32 = arith.constant 0 : i32
    %c0_i32_2 = arith.constant 0 : i32
    return %c0_i32, %add3A_1 : i32, i32
  }
  func.func @transform_2(%arg0: i32) -> (i32, i32) {
    %c0_i32 = arith.constant 0 : i32
    %c0_i32_0 = arith.constant 0 : i32
    %c0_i32_1 = arith.constant 0 : i32
    return %c0_i32, %c0_i32_0 : i32, i32
  }
  func.func @transform_3(%arg0: i32) -> (i32, i32) {
    %c0_i32 = arith.constant 0 : i32
    %c0_i32_0 = arith.constant 0 : i32
    %c0_i32_1 = arith.constant 0 : i32
    return %c0_i32, %c0_i32_0 : i32, i32
  }
  func.func @transform_4(%arg0: i32) -> (i32, i32) {
    %c0_i32 = arith.constant 0 : i32
    %c0_i32_0 = arith.constant 0 : i32
    return %arg0, %c0_i32 : i32, i32
  }
}

</mosaic_0001>

<sc_bundles>
// kernel: kernel.4.cloned.1.call-start
scs
__scs_entry_jumppad:
0x0: {  	(pc) =	sbr.rel $0x88, $3  }
0x1: {  	(tag) =	ssettag $0x0;
	lr =	simm.s32 $0x1  }
0x2: {  	[smem:$0x3F9F] =	sst lr;
	_ =	strace $0xD0000000  }
0x3: {  	_ = 	snop  }
0x4: {  	_ = 	snop  }
0x5: {  	_ = 	snop  }
0x6: {  	_ = 	snop  }
0x7: {  	_ = 	snop  }
__scs_overlays_trampoline_lowered:
0x8: {  	[smem:$0x3FAE] =	sst s0  }
0x9: {  	[smem:$0x3FAF] =	sst s1  }
0xa: {  	[smem:$0x3FB0] =	sst s2  }
0xb: {  	[smem:$0x3FB1] =	sst s3  }
0xc: {  	[smem:$0x3FB2] =	sst s4  }
0xd: {  	[smem:$0x3FB3] =	sst s5  }
0xe: {  	[smem:$0x3FB4] =	sst s6  }
0xf: {  	[smem:$0x3FB5] =	sst s7  }
0x10: {  	[smem:$0x3FB6] =	sst s8  }
0x11: {  	[smem:$0x3FB7] =	sst s9;
	s0 =	simm.s32 @!p0 $0x0  }
0x12: {  	s1 =	sld [smem:$0x3F9D];
	s0 =	simm.s32 @p0 $0x1  }
0x13: {  	[smem:$0x3FB8] =	sst s0;
	s0 =	simm.s32 @!p1 $0x0  }
0x14: {  	s2 =	sld [smem:$0x3F9C];
	s0 =	simm.s32 @p1 $0x1  }
0x15: {  	[smem:$0x3FB9] =	sst s0;
	s0 =	simm.s32 @!p2 $0x0  }
0x16: {  	s3 =	sld [smem:$0x3FDB];
	s0 =	simm.s32 @p2 $0x1  }
0x17: {  	s4 =	simm.s32 $0x1BF5;
	[smem:$0x3FBB] =	sst s0  }
0x18: {  	s0 =	sld [smem:$0x3F9E];
	_ =	swait.ge [sflag:s4], $0x0  }
0x19: {  	s7 =	sld [smem:$0x3F9F]  }
0x1a: {  	s8 =	sadd.s32 $0xFFFFE003, lr  }
0x1b: {  	s9 =	sadd.s32 $0xFFFFFEF7, lr;
	s5 =	simm.s32 $0xFFFFFFFF;
	p2 =	slt.u32 s8, $0xFFFFF086  }
0x1c: {  	p1 =	slt.u32 s9, $0xF7A;
	s5 =	simm.s32 @!p2 $0x0  }
0x1d: {  	s5 =	simm.s32 @p1 $0x1;
	p0 =	seq.s32 s7, s2  }
0x1e: {  	s7 =	smul.u32 @!p0 $0xF7A, s2;
	p2 =	seq.s32 @!p0 s5, $0x0  }
0x1f: {  	s9 =	smul.u32 $0xF7A, s1;
	s8 =	simm.s32 @!p0 $0x1BF5;
	p2 =	por !p2, p0  }
0x20: {  	[sflag:s8] =	ssyncset.s32 @!p0 $0xFFFFF086;
	s6 =	sadd.s32 @!p0 s3, s7;
	s7 =	simm.s32 @!p0 $0x108  }
0x21: {  	s3 =	sadd.s32 s3, s9;
	s6 =	sadd.s32 @!p0 $0x88, s6;
	s7 =	simm.s32 @p2 $0x1082  }
0x22: {  	[simem:s7], [sflag:s8] =	dma.local @!p0 [hbm:s6], $0xF7A  }
0x23: {  	s9 =	sor.u32 $0xD0000000, s2;
	s6 =	simm.s32 $0x108;
	_ =	swait.ge @!p0 [sflag:s8], $0x0  }
0x24: {  	s3 =	sadd.s32 $0x88, s3;
	s6 =	simm.s32 @!p1 $0x1082;
	[sflag:s4] =	ssyncset.s32 $0xFFFFF086  }
0x25: {  	[simem:s6], [sflag:s4] =	dma.local [hbm:s3], $0xF7A  }
0x26: {  	[smem:$0x3F9F] =	sst s1;
	(tag) =	ssettag s2;
	_ =	strace s9  }
0x27: {  	s1 =	sld [smem:$0x3FAF]  }
0x28: {  	s2 =	sld [smem:$0x3FB0]  }
0x29: {  	s4 =	sld [smem:$0x3FB2]  }
0x2a: {  	p0 =	seq.s32 s5, $0x0;
	s5 =	sld [smem:$0x3FB3]  }
0x2b: {  	s6 =	sld [smem:$0x3FB4]  }
0x2c: {  	s7 =	sld [smem:$0x3FB5]  }
0x2d: {  	s3 =	simm.s32 $0x108;
	s8 =	sld [smem:$0x3FB6]  }
0x2e: {  	s3 =	simm.s32 @!p0 $0x1082;
	s9 =	sld [smem:$0x3FB7]  }
0x2f: {  	lr =	sadd.s32 s0, s3;
	s0 =	sld [smem:$0x3FAE]  }
0x30: {  	s3 =	sld [smem:$0x3FB1]  }
0x31: {  	[smem:$0x3FBA] =	sst s10  }
0x32: {  	s10 =	sld [smem:$0x3FB8];
	_ =	sdelay $0x3  }
0x33: {  	p0 =	seq.s32 s10, $0x1;
	s10 =	sld [smem:$0x3FBA];
	_ =	sdelay $0x3  }
0x34: {  	[smem:$0x3FBA] =	sst s10  }
0x35: {  	s10 =	sld [smem:$0x3FB9];
	_ =	sdelay $0x3  }
0x36: {  	p1 =	seq.s32 s10, $0x1;
	s10 =	sld [smem:$0x3FBA];
	_ =	sdelay $0x3  }
0x37: {  	[smem:$0x3FBA] =	sst s10  }
0x38: {  	s10 =	sld [smem:$0x3FBB]  }
0x39: {  	_ = 	snop;
	(pc) =	sbr.ind lr, $3  }
0x3a: {  	_ = 	snop  }
0x3b: {  	_ = 	snop  }
0x3c: {  	p2 =	seq.s32 s10, $0x1;
	s10 =	sld [smem:$0x3FBA]  }
0x3d: {  	_ =	shalt  }
0x3e: {  	_ =	shalt  }
0x3f: {  	_ =	shalt  }
0x40: {  	_ =	shalt  }
0x41: {  	_ =	shalt  }
0x42: {  	_ =	shalt  }
0x43: {  	_ =	shalt  }
0x44: {  	_ =	shalt  }
0x45: {  	_ =	shalt  }
0x46: {  	_ =	shalt  }
0x47: {  	_ =	shalt  }
0x48: {  	_ =	shalt  }
0x49: {  	_ =	shalt  }
0x4a: {  	_ =	shalt  }
0x4b: {  	_ =	shalt  }
0x4c: {  	_ =	shalt  }
0x4d: {  	_ =	shalt  }
0x4e: {  	_ =	shalt  }
0x4f: {  	_ =	shalt  }
0x50: {  	_ =	shalt  }
0x51: {  	_ =	shalt  }
0x52: {  	_ =	shalt  }
0x53: {  	_ =	shalt  }
0x54: {  	_ =	shalt  }
0x55: {  	_ =	shalt  }
0x56: {  	_ =	shalt  }
0x57: {  	_ =	shalt  }
0x58: {  	_ =	shalt  }
0x59: {  	_ =	shalt  }
0x5a: {  	_ =	shalt  }
0x5b: {  	_ =	shalt  }
0x5c: {  	_ =	shalt  }
0x5d: {  	_ =	shalt  }
0x5e: {  	_ =	shalt  }
0x5f: {  	_ =	shalt  }
0x60: {  	_ =	shalt  }
0x61: {  	_ =	shalt  }
0x62: {  	_ =	shalt  }
0x63: {  	_ =	shalt  }
0x64: {  	_ =	shalt  }
0x65: {  	_ =	shalt  }
0x66: {  	_ =	shalt  }
0x67: {  	_ =	shalt  }
0x68: {  	_ =	shalt  }
0x69: {  	_ =	shalt  }
0x6a: {  	_ =	shalt  }
0x6b: {  	_ =	shalt  }
0x6c: {  	_ =	shalt  }
0x6d: {  	_ =	shalt  }
0x6e: {  	_ =	shalt  }
0x6f: {  	_ =	shalt  }
0x70: {  	_ =	shalt  }
0x71: {  	_ =	shalt  }
0x72: {  	_ =	shalt  }
0x73: {  	_ =	shalt  }
0x74: {  	_ =	shalt  }
0x75: {  	_ =	shalt  }
0x76: {  	_ =	shalt  }
0x77: {  	_ =	shalt  }
0x78: {  	_ =	shalt  }
0x79: {  	_ =	shalt  }
0x7a: {  	_ =	shalt  }
0x7b: {  	_ =	shalt  }
0x7c: {  	_ =	shalt  }
0x7d: {  	_ =	shalt  }
0x7e: {  	_ =	shalt  }
0x7f: {  	_ =	shalt  }
0x80: {  	_ =	shalt  }
0x81: {  	_ =	shalt  }
0x82: {  	_ =	shalt  }
0x83: {  	_ =	shalt  }
0x84: {  	_ =	shalt  }
0x85: {  	_ =	shalt  }
0x86: {  	_ =	shalt  }
0x87: {  	_ =	shalt  }
.Lfunc_end0:
.L_simem_size_0:
called_computation.1_lowered:
.L_overlay_start_0:
0x88: {  	s2 =	sld [smem:$0x3FD9]  }
0x89: {  	s3 =	sld [smem:$0x3FFE];
	_ =	sdelay $0x1  }
0x8a: {  	s1 =	srdreg.scid  }
0x8b: {  	s0 =	sand.u32 $0x1, s1  }
0x8c: {  	s17 =	sshll.u32 s0, $0xA;
	s2 =	sadd.s32 s3, s2  }
0x8d: {  	s2 =	sadd.s32 s2, s17  }
0x8e: {  	[smem:$0x3FC6] =	sst s2  }
0x8f: {  	_ = 	snop  }
0x90: {  	s2 =	sld [smem:$0x3FD0];
	(tm) =	ssettm $0x1  }
0x91: {  	s18 =	sld [smem:$0x3FFB];
	_ =	sdelay $0x3  }
0x92: {  	_ =	strace s18  }
0x93: {  	s3 =	sld [smem:$0x3FFC];
	_ =	sdelay $0x3  }
0x94: {  	_ =	strace s3  }
0x95: {  	s3 =	sld [smem:$0x3FFD];
	_ =	sdelay $0x3  }
0x96: {  	_ =	strace s3  }
0x97: {  	_ =	strace $0x8FFFFFFF  }
0x98: {  	s19 =	sld [smem:$0x3FDB];
	_ =	sdelay $0x1  }
0x99: {  	s4 =	simm.s32 $_scs_section_size  }
0x9a: {  	s5 =	simm.s32 $_size__tile_overlayer_lowered;
	s6 =	simm.s32 $_tile_overlayer_lowered  }
0x9b: {  	s22 =	simm.s32 $0x1BFF;
	s21 =	sshll.u32 s6, $0x1;
	s3 =	sadd.s32 s4, s19  }
0x9c: {  	s7 =	simm.s32 $0x0;
	s20 =	sshll.u32 s5, $0x1;
	s5 =	sadd.s32 s21, s3  }
0x9d: {  	[timem:s7], [sflag:s22] =	dma.local [hbm:s5], s20  }
0x9e: {  	_ =	swait.ge [sflag:s22], s20  }
0x9f: {  	s4 =	ssub.s32 $0x0, s20;
	[sflag:s22] =	ssyncset.done $0x0  }
0xa0: {  	[sflag:s22] =	ssyncadd.s32 s4;
	_ =	sdelay $0x1  }
0xa1: {  	s23 =	simm.s32 $0x1B8B  }
0xa2: {  	_ =	swait.ge [sflag:s23], $0x1  }
0xa3: {  	[sflag:s23] =	ssyncset.done $0x0  }
0xa4: {  	s25 =	simm.s32 $0x1B8E;
	s24 =	sld [smem:$0x3FFE];
	[sflag:s23] =	ssyncadd.s32 $0xFFFFFFFF  }
0xa5: {  	s26 =	simm.s32 $execute0_lowered;
	[smem:$0x3FD2] =	sst s25  }
0xa6: {  	s5 =	sshll.u32 s26, $0x1;
	_ =	strace $0x80000046;
	[dreg:$0x1] =	wrdreg $0xFFFFFFFF  }
0xa7: {  	s28 =	simm.s32 $_size_execute0_lowered;
	s3 =	sadd.s32 s3, s5;
	[dreg:$0x0] =	wrdreg $0x0  }
0xa8: {  	s5 =	sshll.u32 s28, $0x1;
	[dreg:$0x2] =	wrdreg s3  }
0xa9: {  	[dreg:$0x3] =	wrdreg s5  }
0xaa: {  	[dreg:$0x4] =	wrdreg $0xC0  }
0xab: {  	_ =	task [dreg:s7], $0x5FFFF  }
0xac: {  	[dreg:$0x1] =	wrdreg $0xFFFFFFFF  }
0xad: {  	[dreg:$0x0] =	wrdreg $0x60  }
0xae: {  	[dreg:$0x2] =	wrdreg s24  }
0xaf: {  	[dreg:$0x3] =	wrdreg s2  }
0xb0: {  	[dreg:$0x4] =	wrdreg $0x9  }
0xb1: {  	_ =	task.clear_ibuf [dreg:s7], $0x5FFFF;
	_ =	strace $0x90000046  }
0xb2: {  	s29 =	simm.s32 $0x9;
	_ =	strace $0x80000048  }
0xb3: {  	_ =	swait.ge [sflag:s29], $0x1  }
0xb4: {  	[sflag:s29] =	ssyncadd.s32 $0xFFFFFFFF  }
0xb5: {  	_ =	strace $0x90000048  }
0xb6: {  	_ =	sfence  }
0xb7: {  	s30 =	sld [smem:$0x0];
	_ =	sdelay $0x2  }
0xb8: {  	s31 =	sshll.u32 s1, $0xD;
	s1 =	sshrl.u32 s1, $0x2  }
0xb9: {  	s3 =	sand.u32 $0x4000, s31;
	s1 =	sadd.s32 s1, s30  }
0xba: {  	s0 =	sor.u32 s3, s0;
	s1 =	sshll.u32 s1, $0x11  }
0xbb: {  	s0 =	sor.u32 s1, s0  }
0xbc: {  	s0 =	sadd.s32 $0x8F2B, s0  }
0xbd: {  	[sflag:s0] =	ssyncadd.remote.s32 $0x1  }
0xbe: {  	_ =	sfence.sel $0xFFFF  }
0xbf: {  	[dreg:$0x0] =	wrdreg $0xFFFFFFFF;
	(pc) =	sbr.abs _section_cstart, $3  }
0xc0: {  	[dreg:$0x1] =	wrdreg $0xFFFFFFFF  }
0xc1: {  	_ =	task.clear_ibuf [dreg:s7], $0x2FFFF;
	_ =	strace $0x9FFFFFFF  }
0xc2: {  	(tm) =	ssettm $0x7FFFFFFF  }
0xc3: {  	_ =	shalt  }
tec
execute0_lowered:
.L_overlay_start_1:
0x0: {  	(tag) =	ssettag $0x1  }
0x1: {  	s0 =	srdreg.scid;
	s2 =	stileid.u32  }
0x2: {  	s0 =	sand.u32 $0x1, s0;
	s2 =	sshll.u32 s2, $0x1  }
0x3: {  	s2 =	sor.u32 s0, s2  }
0x4: {  	s4 =	simm.s32 $0x0;
	s0 =	ssub.s32 $0x2, s0;
	s3 =	smul.u32 $0x320, s2  }
0x5: {  	[smem:$0x7FF] =	sst s4;
	s29 =	sshrl.u32 s0, $0x1;
	s30 =	smul.u32 $0xC80, s2  }
0x6: {  	s1 =	rddreg [dreg:$0x0];
	_ =	strace $0x80000047;
	s0 =	ssub.s32 s0, s29  }
0x7: {  	s3 =	sadd.s32 s3, s1;
	s1 =	sadd.s32 $0x6C00, s1;
	[dreg:$0x10] =	wrdreg s30  }
0x8: {  	s0 =	smax.u32 s0, $0x1;
	[dreg:$0xf] =	wrdreg s1  }
0x9: {  	s31 =	sadd.s32 $0x800, s3;
	[dreg:$0x12] =	wrdreg s0  }
0xa: {  	v0 =	vimm.s32 $0x0;
	s1 =	simm.s32 $0x0;
	[dreg:$0x11] =	wrdreg s31  }
.LBB2_1:
0xb: {  	[dreg:$0x13] =	wrdreg s1  }
0xc: {  	s0 =	simm.s32 $0x0;
	s30 =	rddreg [dreg:$0x11];
	s31 =	simm.s32 $0x2  }
0xd: {  	[tilespmem:s0], [sflag:$0x2] =	stream.linear.gather [hbm4b:s30+s0], $0x1900, $0x38;
	[tilespmem:$0x17700] =	vst v63  }
0xe: {  	_ =	swait.ge [sflag:s31], $0x1900  }
0xf: {  	[sflag:s31] =	ssyncset.done $0x0  }
0x10: {  	s1 =	simm.s32 $0x0;
	[sflag:s31] =	ssyncadd.s32 $0xFFFFE700  }
0x11: {  	v1 =	vld [tilespmem:s1+$0x0];
	_ =	sdelay $0x4  }
0x12: {  	v2 =	vadd.s32 $0xFFF85F00, v1  }
0x13: {  	vm0 =	vlt.u32 v2, $0x7A100  }
0x14: {  	s0 =	simm.s32 $0x10;
	v3 =	vshll.u32 v1, $0x6;
	v4 =	vsel vm0, $0xFFF85F00, v0  }
0x15: {  	vm1 =	vgt.s32 v1, $0xF41FF;
	v2 =	vadd.s32 $0xFFF0BE00, v1;
	v4 =	vadd.s32 v1, v4;
	v1 =	vld [tilespmem:s0+$0x0]  }
0x16: {  	v2 =	vshrl.u32 v2, $0x1  }
0x17: {  	v2 =	vadd.s32 $0x7A100, v2  }
0x18: {  	v3 =	vand.u32 $0x40, v3;
	v5 =	vsel vm0, $0x40, v0;
	v4 =	vsel vm1, v2, v4  }
0x19: {  	s2 =	simm.s32 $0x80;
	v2 =	vsel vm1, v3, v5;
	[tilespmem:s1+$0x1900] =	vst v4  }
.LBB2_2:
0x1a: {  	s3 =	sshra.s32 s2, $0x2;
	p0 =	sne.s32 s2, $0x63C0;
	s2 =	sadd.s32 $0x40, s2;
	v3 =	vadd.s32 $0xFFF85F00, v1;
	v4 =	vshll.u32 v1, $0x6;
	[tilespmem:s1+$0x3200] =	vst v2;
	v2 =	vmov v1  }
.Ltmp0:
0x1b: {  	s1 =	smov.u32 s0;
	v1 =	vld [tilespmem:s3+$0x0];
	vm0 =	vlt.u32 v3, $0x7A100;
	v3 =	vadd.s32 $0xFFF0BE00, v2;
	v4 =	vand.u32 $0x40, v4;
	s0 =	smov.u32 s3;
	(pc) =	sbr.rel @p0 .LBB2_2-.Ltmp0, $4  }
0x1c: {  	v3 =	vshrl.u32 v3, $0x1;
	v5 =	vsel vm0, $0xFFF85F00, v0;
	v6 =	vsel vm0, $0x40, v0  }
0x1d: {  	vm0 =	vgt.s32 v2, $0xF41FF;
	v3 =	vadd.s32 $0x7A100, v3;
	v2 =	vadd.s32 v2, v5  }
0x1e: {  	v3 =	vsel vm0, v3, v2;
	v2 =	vsel vm0, v4, v6  }
0x1f: {  	[tilespmem:s1+$0x1900] =	vst v3  }
0x20: {  	v3 =	vadd.s32 $0xFFF85F00, v1  }
0x21: {  	vm0 =	vlt.u32 v3, $0x7A100;
	v3 =	vadd.s32 $0xFFF0BE00, v1  }
0x22: {  	v4 =	vshll.u32 v1, $0x6;
	v3 =	vshrl.u32 v3, $0x1;
	v5 =	vsel vm0, $0xFFF85F00, v0  }
0x23: {  	vm1 =	vgt.s32 v1, $0xF41FF;
	v5 =	vadd.s32 v1, v5;
	v1 =	vadd.s32 $0x7A100, v3  }
0x24: {  	[tilespmem:s1+$0x3200] =	vst v2;
	v2 =	vand.u32 $0x40, v4;
	v3 =	vsel vm0, $0x40, v0;
	v1 =	vsel vm1, v1, v5  }
0x25: {  	v2 =	vsel vm1, v2, v3;
	[tilespmem:s0+$0x1900] =	vst v1  }
0x26: {  	s3 =	simm.s32 $0x0;
	s31 =	simm.s32 $0x3200;
	[tilespmem:s0+$0x3200] =	vst v2  }
.LBB2_4:
0x27: {  	s0 =	smul.u32 $0x190, s3  }
0x28: {  	s2 =	rddreg [dreg:$0xf]  }
0x29: {  	s23 =	simm.s32 $0x50;
	s4 =	simm.s32 $0x4B00;
	s1 =	sadd.s32 $0x1900, s0  }
0x2a: {  	[tilespmem:s4], [sflag:$0x1] =	stream.indirect.gather [hbm4b:s2+s23], $0x80, s1, s23, $0xb8;
	[tilespmem:$0x17700] =	vst v63  }
0x2b: {  	s25 =	simm.s32 $0x7300;
	s24 =	sadd.s32 $0x1950, s0  }
0x2c: {  	[tilespmem:s25], [sflag:$0x1] =	stream.indirect.gather [hbm4b:s2+s23], $0x80, s24, s23, $0xb8;
	[tilespmem:$0x17700] =	vst v63  }
0x2d: {  	s28 =	simm.s32 $0x9B00;
	s26 =	sadd.s32 $0x19A0, s0  }
0x2e: {  	[tilespmem:s28], [sflag:$0x1] =	stream.indirect.gather [hbm4b:s2+s23], $0x80, s26, s23, $0xb8;
	[tilespmem:$0x17700] =	vst v63  }
0x2f: {  	[dreg:$0x14] =	wrdreg s3;
	s30 =	simm.s32 $0xC300;
	s29 =	sadd.s32 $0x19F0, s0  }
0x30: {  	[tilespmem:s30], [sflag:$0x1] =	stream.indirect.gather [hbm4b:s2+s23], $0x80, s29, s23, $0xb8;
	[tilespmem:$0x17700] =	vst v63  }
0x31: {  	s5 =	simm.s32 $0x1;
	s0 =	sadd.s32 $0x1A40, s0;
	s4 =	simm.s32 $0xEB00  }
0x32: {  	[tilespmem:s4], [sflag:$0x1] =	stream.indirect.gather [hbm4b:s2+s23], $0x80, s0, s23, $0xb8;
	[tilespmem:$0x17700] =	vst v63  }
0x33: {  	_ =	swait.ge [sflag:s5], $0x2800  }
0x34: {  	[sflag:s5] =	ssyncset.done $0x0  }
0x35: {  	[sflag:s5] =	ssyncadd.s32 $0xFFFFD800  }
0x36: {  	_ =	swait.ge [sflag:s5], $0x2800  }
0x37: {  	[sflag:s5] =	ssyncset.done $0x0  }
0x38: {  	[sflag:s5] =	ssyncadd.s32 $0xFFFFD800  }
0x39: {  	_ =	swait.ge [sflag:s5], $0x2800  }
0x3a: {  	[sflag:s5] =	ssyncset.done $0x0  }
0x3b: {  	[sflag:s5] =	ssyncadd.s32 $0xFFFFD800  }
0x3c: {  	_ =	swait.ge [sflag:s5], $0x2800  }
0x3d: {  	[sflag:s5] =	ssyncset.done $0x0  }
0x3e: {  	[sflag:s5] =	ssyncadd.s32 $0xFFFFD800  }
0x3f: {  	_ =	swait.ge [sflag:s5], $0x2800  }
0x40: {  	[sflag:s5] =	ssyncset.done $0x0  }
0x41: {  	[sflag:s5] =	ssyncadd.s32 $0xFFFFD800  }
0x42: {  	v1 =	vld [tilespmem:s31+$0x0];
	_ =	sdelay $0x4  }
0x43: {  	(v2sf) =	vpush v1, $0x0;
	_ =	sdelay $0xe  }
0x44: {  	s6 =	spop (v2sf)  }
0x45: {  	s7 =	sand.u32 $0x7F, s6;
	s8 =	sshll.u32 s6, $0x2  }
0x46: {  	s2 =	sand.u32 $0xFFFFFE00, s8;
	s1 =	sshll.u32 s7, $0x2  }
0x47: {  	s1 =	sor.u32 s1, s2  }
0x48: {  	s1 =	sshra.s32 s1, $0x2  }
0x49: {  	s1 =	sadd.s32 $0x0, s1  }
0x4a: {  	s9 =	sadd.s32 $0x10, s6;
	v2 =	vld [tilespmem:s1+$0x4B00]  }
0x4b: {  	s10 =	sand.u32 $0x7F, s9;
	s2 =	sshll.u32 s9, $0x2  }
0x4c: {  	s2 =	sand.u32 $0xFFFFFE00, s2;
	s1 =	sshll.u32 s10, $0x2  }
0x4d: {  	(v2sf) =	vpush v1, $0x1;
	s1 =	sor.u32 s1, s2  }
0x4e: {  	s20 =	simm.s32 $0x11500;
	s1 =	sshra.s32 s1, $0x2  }
0x4f: {  	s1 =	sadd.s32 $0x0, s1;
	[tilespmem:s20+$0xFFFFFE00] =	vst v2  }
0x50: {  	s11 =	sadd.s32 $0x20, s6;
	v2 =	vld [tilespmem:s1+$0x4B00]  }
0x51: {  	s12 =	sand.u32 $0x7F, s11;
	s2 =	sshll.u32 s11, $0x2  }
0x52: {  	s2 =	sand.u32 $0xFFFFFE00, s2;
	s1 =	sshll.u32 s12, $0x2  }
0x53: {  	s1 =	sor.u32 s1, s2  }
0x54: {  	s1 =	sshra.s32 s1, $0x2  }
0x55: {  	s1 =	sadd.s32 $0x0, s1;
	[tilespmem:s20+$0xFFFFFE10] =	vst v2  }
0x56: {  	s0 =	sadd.s32 $0x30, s6;
	v2 =	vld [tilespmem:s1+$0x4B00]  }
0x57: {  	s13 =	sand.u32 $0x7F, s0;
	s0 =	sshll.u32 s0, $0x2  }
0x58: {  	s0 =	sand.u32 $0xFFFFFE00, s0;
	s1 =	sshll.u32 s13, $0x2  }
0x59: {  	s0 =	sor.u32 s1, s0  }
0x5a: {  	s0 =	sshra.s32 s0, $0x2  }
0x5b: {  	s0 =	sadd.s32 $0x0, s0;
	[tilespmem:s20+$0xFFFFFE20] =	vst v2  }
0x5c: {  	s14 =	spop (v2sf);
	v2 =	vld [tilespmem:s0+$0x4B00]  }
0x5d: {  	s15 =	sand.u32 $0x7F, s14;
	s16 =	sshll.u32 s14, $0x2  }
0x5e: {  	s2 =	sand.u32 $0xFFFFFE00, s16;
	s0 =	sshll.u32 s15, $0x2  }
0x5f: {  	s0 =	sor.u32 s0, s2  }
0x60: {  	s0 =	sshra.s32 s0, $0x2  }
0x61: {  	s0 =	sadd.s32 $0x0, s0;
	[tilespmem:s20+$0xFFFFFE30] =	vst v2  }
0x62: {  	s17 =	sadd.s32 $0x10, s14;
	v2 =	vld [tilespmem:s0+$0x4B80]  }
0x63: {  	s18 =	sand.u32 $0x7F, s17;
	s2 =	sshll.u32 s17, $0x2  }
0x64: {  	s2 =	sand.u32 $0xFFFFFE00, s2;
	s0 =	sshll.u32 s18, $0x2  }
0x65: {  	(v2sf) =	vpush v1, $0x2;
	s0 =	sor.u32 s0, s2  }
0x66: {  	s0 =	sshra.s32 s0, $0x2  }
0x67: {  	s0 =	sadd.s32 $0x0, s0;
	[tilespmem:s20+$0xFFFFFE40] =	vst v2  }
0x68: {  	s19 =	sadd.s32 $0x20, s14;
	v2 =	vld [tilespmem:s0+$0x4B80]  }
0x69: {  	s21 =	sand.u32 $0x7F, s19;
	s2 =	sshll.u32 s19, $0x2  }
0x6a: {  	s2 =	sand.u32 $0xFFFFFE00, s2;
	s0 =	sshll.u32 s21, $0x2  }
0x6b: {  	s0 =	sor.u32 s0, s2  }
0x6c: {  	s0 =	sshra.s32 s0, $0x2  }
0x6d: {  	s0 =	sadd.s32 $0x0, s0;
	[tilespmem:s20+$0xFFFFFE50] =	vst v2  }
0x6e: {  	s1 =	sadd.s32 $0x30, s14;
	v2 =	vld [tilespmem:s0+$0x4B80]  }
0x6f: {  	s22 =	sand.u32 $0x7F, s1;
	s1 =	sshll.u32 s1, $0x2  }
0x70: {  	s1 =	sand.u32 $0xFFFFFE00, s1;
	s0 =	sshll.u32 s22, $0x2  }
0x71: {  	s0 =	sor.u32 s0, s1  }
0x72: {  	s0 =	sshra.s32 s0, $0x2  }
0x73: {  	s0 =	sadd.s32 $0x0, s0;
	[tilespmem:s20+$0xFFFFFE60] =	vst v2  }
0x74: {  	s23 =	spop (v2sf);
	v2 =	vld [tilespmem:s0+$0x4B80]  }
0x75: {  	s24 =	sand.u32 $0x7F, s23;
	s25 =	sshll.u32 s23, $0x2  }
0x76: {  	s2 =	sand.u32 $0xFFFFFE00, s25;
	s0 =	sshll.u32 s24, $0x2  }
0x77: {  	s0 =	sor.u32 s0, s2  }
0x78: {  	s0 =	sshra.s32 s0, $0x2  }
0x79: {  	s0 =	sadd.s32 $0x0, s0;
	[tilespmem:s20+$0xFFFFFE70] =	vst v2  }
0x7a: {  	s26 =	sadd.s32 $0x10, s23;
	v2 =	vld [tilespmem:s0+$0x4C00]  }
0x7b: {  	s28 =	sand.u32 $0x7F, s26;
	s2 =	sshll.u32 s26, $0x2  }
0x7c: {  	s2 =	sand.u32 $0xFFFFFE00, s2;
	s0 =	sshll.u32 s28, $0x2  }
0x7d: {  	(v2sf) =	vpush v1, $0x3;
	s0 =	sor.u32 s0, s2  }
0x7e: {  	s0 =	sshra.s32 s0, $0x2  }
0x7f: {  	s0 =	sadd.s32 $0x0, s0;
	[tilespmem:s20+$0xFFFFFE80] =	vst v2  }
0x80: {  	s29 =	sadd.s32 $0x20, s23;
	v2 =	vld [tilespmem:s0+$0x4C00]  }
0x81: {  	s30 =	sand.u32 $0x7F, s29;
	s2 =	sshll.u32 s29, $0x2  }
0x82: {  	s2 =	sand.u32 $0xFFFFFE00, s2;
	s0 =	sshll.u32 s30, $0x2  }
0x83: {  	s0 =	sor.u32 s0, s2  }
0x84: {  	s0 =	sshra.s32 s0, $0x2  }
0x85: {  	s0 =	sadd.s32 $0x0, s0;
	[tilespmem:s20+$0xFFFFFE90] =	vst v2  }
0x86: {  	s1 =	sadd.s32 $0x30, s23;
	v2 =	vld [tilespmem:s0+$0x4C00]  }
0x87: {  	s2 =	sand.u32 $0x7F, s1;
	s1 =	sshll.u32 s1, $0x2  }
0x88: {  	s1 =	sand.u32 $0xFFFFFE00, s1;
	s0 =	sshll.u32 s2, $0x2  }
0x89: {  	s0 =	sor.u32 s0, s1  }
0x8a: {  	s0 =	sshra.s32 s0, $0x2  }
0x8b: {  	s0 =	sadd.s32 $0x0, s0;
	[tilespmem:s20+$0xFFFFFEA0] =	vst v2  }
0x8c: {  	s3 =	spop (v2sf);
	v2 =	vld [tilespmem:s0+$0x4C00]  }
0x8d: {  	s4 =	sand.u32 $0x7F, s3;
	s5 =	sshll.u32 s3, $0x2  }
0x8e: {  	s2 =	sand.u32 $0xFFFFFE00, s5;
	s0 =	sshll.u32 s4, $0x2  }
0x8f: {  	s0 =	sor.u32 s0, s2  }
0x90: {  	s0 =	sshra.s32 s0, $0x2  }
0x91: {  	s0 =	sadd.s32 $0x0, s0;
	[tilespmem:s20+$0xFFFFFEB0] =	vst v2  }
0x92: {  	s6 =	sadd.s32 $0x10, s3;
	v2 =	vld [tilespmem:s0+$0x4C80]  }
0x93: {  	s7 =	sand.u32 $0x7F, s6;
	s2 =	sshll.u32 s6, $0x2  }
0x94: {  	s2 =	sand.u32 $0xFFFFFE00, s2;
	s0 =	sshll.u32 s7, $0x2  }
0x95: {  	(v2sf) =	vpush v1, $0x4;
	s0 =	sor.u32 s0, s2  }
0x96: {  	s0 =	sshra.s32 s0, $0x2  }
0x97: {  	s0 =	sadd.s32 $0x0, s0;
	[tilespmem:s20+$0xFFFFFEC0] =	vst v2  }
0x98: {  	s8 =	sadd.s32 $0x20, s3;
	v2 =	vld [tilespmem:s0+$0x4C80]  }
0x99: {  	s9 =	sand.u32 $0x7F, s8;
	s2 =	sshll.u32 s8, $0x2  }
0x9a: {  	s2 =	sand.u32 $0xFFFFFE00, s2;
	s0 =	sshll.u32 s9, $0x2  }
0x9b: {  	s0 =	sor.u32 s0, s2  }
0x9c: {  	s0 =	sshra.s32 s0, $0x2  }
0x9d: {  	s0 =	sadd.s32 $0x0, s0;
	[tilespmem:s20+$0xFFFFFED0] =	vst v2  }
0x9e: {  	s1 =	sadd.s32 $0x30, s3;
	v2 =	vld [tilespmem:s0+$0x4C80]  }
0x9f: {  	s10 =	sand.u32 $0x7F, s1;
	s1 =	sshll.u32 s1, $0x2  }
0xa0: {  	s1 =	sand.u32 $0xFFFFFE00, s1;
	s0 =	sshll.u32 s10, $0x2  }
0xa1: {  	s0 =	sor.u32 s0, s1  }
0xa2: {  	s0 =	sshra.s32 s0, $0x2  }
0xa3: {  	s0 =	sadd.s32 $0x0, s0;
	[tilespmem:s20+$0xFFFFFEE0] =	vst v2  }
0xa4: {  	s11 =	spop (v2sf);
	v2 =	vld [tilespmem:s0+$0x4C80]  }
0xa5: {  	s12 =	sand.u32 $0x7F, s11;
	s13 =	sshll.u32 s11, $0x2  }
0xa6: {  	s2 =	sand.u32 $0xFFFFFE00, s13;
	s0 =	sshll.u32 s12, $0x2  }
0xa7: {  	s0 =	sor.u32 s0, s2  }
0xa8: {  	s0 =	sshra.s32 s0, $0x2  }
0xa9: {  	s0 =	sadd.s32 $0x0, s0;
	[tilespmem:s20+$0xFFFFFEF0] =	vst v2  }
0xaa: {  	s14 =	sadd.s32 $0x10, s11;
	v2 =	vld [tilespmem:s0+$0x4D00]  }
0xab: {  	s15 =	sand.u32 $0x7F, s14;
	s2 =	sshll.u32 s14, $0x2  }
0xac: {  	s2 =	sand.u32 $0xFFFFFE00, s2;
	s0 =	sshll.u32 s15, $0x2  }
0xad: {  	(v2sf) =	vpush v1, $0x5;
	s0 =	sor.u32 s0, s2  }
0xae: {  	s0 =	sshra.s32 s0, $0x2  }
0xaf: {  	s0 =	sadd.s32 $0x0, s0;
	[tilespmem:s20+$0xFFFFFF00] =	vst v2  }
0xb0: {  	s16 =	sadd.s32 $0x20, s11;
	v2 =	vld [tilespmem:s0+$0x4D00]  }
0xb1: {  	s17 =	sand.u32 $0x7F, s16;
	s2 =	sshll.u32 s16, $0x2  }
0xb2: {  	s2 =	sand.u32 $0xFFFFFE00, s2;
	s0 =	sshll.u32 s17, $0x2  }
0xb3: {  	s0 =	sor.u32 s0, s2  }
0xb4: {  	s0 =	sshra.s32 s0, $0x2  }
0xb5: {  	s0 =	sadd.s32 $0x0, s0;
	[tilespmem:s20+$0xFFFFFF10] =	vst v2  }
0xb6: {  	s1 =	sadd.s32 $0x30, s11;
	v2 =	vld [tilespmem:s0+$0x4D00]  }
0xb7: {  	s18 =	sand.u32 $0x7F, s1;
	s1 =	sshll.u32 s1, $0x2  }
0xb8: {  	s1 =	sand.u32 $0xFFFFFE00, s1;
	s0 =	sshll.u32 s18, $0x2  }
0xb9: {  	s0 =	sor.u32 s0, s1  }
0xba: {  	s0 =	sshra.s32 s0, $0x2  }
0xbb: {  	s0 =	sadd.s32 $0x0, s0;
	[tilespmem:s20+$0xFFFFFF20] =	vst v2  }
0xbc: {  	s19 =	spop (v2sf);
	v2 =	vld [tilespmem:s0+$0x4D00]  }
0xbd: {  	s21 =	sand.u32 $0x7F, s19;
	s22 =	sshll.u32 s19, $0x2  }
0xbe: {  	s2 =	sand.u32 $0xFFFFFE00, s22;
	s0 =	sshll.u32 s21, $0x2  }
0xbf: {  	s0 =	sor.u32 s0, s2  }
0xc0: {  	s0 =	sshra.s32 s0, $0x2  }
0xc1: {  	s0 =	sadd.s32 $0x0, s0;
	[tilespmem:s20+$0xFFFFFF30] =	vst v2  }
0xc2: {  	s23 =	sadd.s32 $0x10, s19;
	v2 =	vld [tilespmem:s0+$0x4D80]  }
0xc3: {  	s24 =	sand.u32 $0x7F, s23;
	s2 =	sshll.u32 s23, $0x2  }
0xc4: {  	s2 =	sand.u32 $0xFFFFFE00, s2;
	s0 =	sshll.u32 s24, $0x2  }
0xc5: {  	(v2sf) =	vpush v1, $0x6;
	s0 =	sor.u32 s0, s2  }
0xc6: {  	s0 =	sshra.s32 s0, $0x2  }
0xc7: {  	s0 =	sadd.s32 $0x0, s0;
	[tilespmem:s20+$0xFFFFFF40] =	vst v2  }
0xc8: {  	s25 =	sadd.s32 $0x20, s19;
	v2 =	vld [tilespmem:s0+$0x4D80]  }
0xc9: {  	s26 =	sand.u32 $0x7F, s25;
	s2 =	sshll.u32 s25, $0x2  }
0xca: {  	s2 =	sand.u32 $0xFFFFFE00, s2;
	s0 =	sshll.u32 s26, $0x2  }
0xcb: {  	s0 =	sor.u32 s0, s2  }
0xcc: {  	s0 =	sshra.s32 s0, $0x2  }
0xcd: {  	s0 =	sadd.s32 $0x0, s0;
	[tilespmem:s20+$0xFFFFFF50] =	vst v2  }
0xce: {  	s1 =	sadd.s32 $0x30, s19;
	v2 =	vld [tilespmem:s0+$0x4D80]  }
0xcf: {  	s28 =	sand.u32 $0x7F, s1;
	s1 =	sshll.u32 s1, $0x2  }
0xd0: {  	s1 =	sand.u32 $0xFFFFFE00, s1;
	s0 =	sshll.u32 s28, $0x2  }
0xd1: {  	s0 =	sor.u32 s0, s1  }
0xd2: {  	s0 =	sshra.s32 s0, $0x2  }
0xd3: {  	s0 =	sadd.s32 $0x0, s0;
	[tilespmem:s20+$0xFFFFFF60] =	vst v2  }
0xd4: {  	s29 =	spop (v2sf);
	v2 =	vld [tilespmem:s0+$0x4D80]  }
0xd5: {  	s30 =	sand.u32 $0x7F, s29;
	s3 =	sshll.u32 s29, $0x2  }
0xd6: {  	s2 =	sand.u32 $0xFFFFFE00, s3;
	s0 =	sshll.u32 s30, $0x2  }
0xd7: {  	s0 =	sor.u32 s0, s2  }
0xd8: {  	s0 =	sshra.s32 s0, $0x2  }
0xd9: {  	s0 =	sadd.s32 $0x0, s0;
	[tilespmem:s20+$0xFFFFFF70] =	vst v2  }
0xda: {  	s4 =	sadd.s32 $0x10, s29;
	v2 =	vld [tilespmem:s0+$0x4E00]  }
0xdb: {  	s5 =	sand.u32 $0x7F, s4;
	s2 =	sshll.u32 s4, $0x2  }
0xdc: {  	s2 =	sand.u32 $0xFFFFFE00, s2;
	s0 =	sshll.u32 s5, $0x2  }
0xdd: {  	(v2sf) =	vpush v1, $0x7;
	s0 =	sor.u32 s0, s2  }
0xde: {  	s0 =	sshra.s32 s0, $0x2  }
0xdf: {  	s0 =	sadd.s32 $0x0, s0;
	[tilespmem:s20+$0xFFFFFF80] =	vst v2  }
0xe0: {  	s6 =	sadd.s32 $0x20, s29;
	v2 =	vld [tilespmem:s0+$0x4E00]  }
0xe1: {  	s7 =	sand.u32 $0x7F, s6;
	s2 =	sshll.u32 s6, $0x2  }
0xe2: {  	s2 =	sand.u32 $0xFFFFFE00, s2;
	s0 =	sshll.u32 s7, $0x2  }
0xe3: {  	s0 =	sor.u32 s0, s2  }
0xe4: {  	s0 =	sshra.s32 s0, $0x2  }
0xe5: {  	s0 =	sadd.s32 $0x0, s0;
	[tilespmem:s20+$0xFFFFFF90] =	vst v2  }
0xe6: {  	s1 =	sadd.s32 $0x30, s29;
	v2 =	vld [tilespmem:s0+$0x4E00]  }
0xe7: {  	s8 =	sand.u32 $0x7F, s1;
	s1 =	sshll.u32 s1, $0x2  }
0xe8: {  	s1 =	sand.u32 $0xFFFFFE00, s1;
	s0 =	sshll.u32 s8, $0x2  }
0xe9: {  	s0 =	sor.u32 s0, s1  }
0xea: {  	s0 =	sshra.s32 s0, $0x2  }
0xeb: {  	s0 =	sadd.s32 $0x0, s0;
	[tilespmem:s20+$0xFFFFFFA0] =	vst v2  }
0xec: {  	s9 =	spop (v2sf);
	v2 =	vld [tilespmem:s0+$0x4E00]  }
0xed: {  	s10 =	sand.u32 $0x7F, s9;
	s11 =	sshll.u32 s9, $0x2  }
0xee: {  	s2 =	sand.u32 $0xFFFFFE00, s11;
	s0 =	sshll.u32 s10, $0x2  }
0xef: {  	s0 =	sor.u32 s0, s2  }
0xf0: {  	s0 =	sshra.s32 s0, $0x2  }
0xf1: {  	s0 =	sadd.s32 $0x0, s0;
	[tilespmem:s20+$0xFFFFFFB0] =	vst v2  }
0xf2: {  	s12 =	sadd.s32 $0x10, s9;
	v2 =	vld [tilespmem:s0+$0x4E80]  }
0xf3: {  	s13 =	sand.u32 $0x7F, s12;
	s2 =	sshll.u32 s12, $0x2  }
0xf4: {  	s2 =	sand.u32 $0xFFFFFE00, s2;
	s0 =	sshll.u32 s13, $0x2  }
0xf5: {  	(v2sf) =	vpush v1, $0x8;
	s0 =	sor.u32 s0, s2  }
0xf6: {  	s0 =	sshra.s32 s0, $0x2  }
0xf7: {  	s0 =	sadd.s32 $0x0, s0;
	[tilespmem:s20+$0xFFFFFFC0] =	vst v2  }
0xf8: {  	s14 =	sadd.s32 $0x20, s9;
	v2 =	vld [tilespmem:s0+$0x4E80]  }
0xf9: {  	s15 =	sand.u32 $0x7F, s14;
	s2 =	sshll.u32 s14, $0x2  }
0xfa: {  	s2 =	sand.u32 $0xFFFFFE00, s2;
	s0 =	sshll.u32 s15, $0x2  }
0xfb: {  	s0 =	sor.u32 s0, s2  }
0xfc: {  	s0 =	sshra.s32 s0, $0x2  }
0xfd: {  	s0 =	sadd.s32 $0x0, s0;
	[tilespmem:s20+$0xFFFFFFD0] =	vst v2  }
0xfe: {  	s1 =	sadd.s32 $0x30, s9;
	v2 =	vld [tilespmem:s0+$0x4E80]  }
0xff: {  	s16 =	sand.u32 $0x7F, s1;
	s1 =	sshll.u32 s1, $0x2  }
0x100: {  	s1 =	sand.u32 $0xFFFFFE00, s1;
	s0 =	sshll.u32 s16, $0x2  }
0x101: {  	s0 =	sor.u32 s0, s1  }
0x102: {  	s0 =	sshra.s32 s0, $0x2  }
0x103: {  	s0 =	sadd.s32 $0x0, s0;
	[tilespmem:s20+$0xFFFFFFE0] =	vst v2  }
0x104: {  	s17 =	spop (v2sf);
	v2 =	vld [tilespmem:s0+$0x4E80]  }
0x105: {  	s18 =	sand.u32 $0x7F, s17;
	s19 =	sshll.u32 s17, $0x2  }
0x106: {  	s2 =	sand.u32 $0xFFFFFE00, s19;
	s0 =	sshll.u32 s18, $0x2  }
0x107: {  	s0 =	sor.u32 s0, s2  }
0x108: {  	s0 =	sshra.s32 s0, $0x2  }
0x109: {  	s0 =	sadd.s32 $0x0, s0;
	[tilespmem:s20+$0xFFFFFFF0] =	vst v2  }
0x10a: {  	s21 =	sadd.s32 $0x10, s17;
	v2 =	vld [tilespmem:s0+$0x4F00]  }
0x10b: {  	s22 =	sand.u32 $0x7F, s21;
	s2 =	sshll.u32 s21, $0x2  }
0x10c: {  	s2 =	sand.u32 $0xFFFFFE00, s2;
	s0 =	sshll.u32 s22, $0x2  }
0x10d: {  	(v2sf) =	vpush v1, $0x9;
	s0 =	sor.u32 s0, s2  }
0x10e: {  	s0 =	sshra.s32 s0, $0x2  }
0x10f: {  	s0 =	sadd.s32 $0x0, s0;
	[tilespmem:s20+$0x0] =	vst v2  }
0x110: {  	s23 =	sadd.s32 $0x20, s17;
	v2 =	vld [tilespmem:s0+$0x4F00]  }
0x111: {  	s24 =	sand.u32 $0x7F, s23;
	s2 =	sshll.u32 s23, $0x2  }
0x112: {  	s2 =	sand.u32 $0xFFFFFE00, s2;
	s0 =	sshll.u32 s24, $0x2  }
0x113: {  	s0 =	sor.u32 s0, s2  }
0x114: {  	s0 =	sshra.s32 s0, $0x2  }
0x115: {  	s0 =	sadd.s32 $0x0, s0;
	[tilespmem:s20+$0x10] =	vst v2  }
0x116: {  	s1 =	sadd.s32 $0x30, s17;
	v2 =	vld [tilespmem:s0+$0x4F00]  }
0x117: {  	s25 =	sand.u32 $0x7F, s1;
	s1 =	sshll.u32 s1, $0x2  }
0x118: {  	s1 =	sand.u32 $0xFFFFFE00, s1;
	s0 =	sshll.u32 s25, $0x2  }
0x119: {  	s0 =	sor.u32 s0, s1  }
0x11a: {  	s0 =	sshra.s32 s0, $0x2  }
0x11b: {  	s0 =	sadd.s32 $0x0, s0;
	[tilespmem:s20+$0x20] =	vst v2  }
0x11c: {  	s26 =	spop (v2sf);
	v2 =	vld [tilespmem:s0+$0x4F00]  }
0x11d: {  	s28 =	sand.u32 $0x7F, s26;
	s29 =	sshll.u32 s26, $0x2  }
0x11e: {  	s2 =	sand.u32 $0xFFFFFE00, s29;
	s0 =	sshll.u32 s28, $0x2  }
0x11f: {  	s0 =	sor.u32 s0, s2  }
0x120: {  	s0 =	sshra.s32 s0, $0x2  }
0x121: {  	s0 =	sadd.s32 $0x0, s0;
	[tilespmem:s20+$0x30] =	vst v2  }
0x122: {  	s30 =	sadd.s32 $0x10, s26;
	v2 =	vld [tilespmem:s0+$0x4F80]  }
0x123: {  	s3 =	sand.u32 $0x7F, s30;
	s2 =	sshll.u32 s30, $0x2  }
0x124: {  	s2 =	sand.u32 $0xFFFFFE00, s2;
	s0 =	sshll.u32 s3, $0x2  }
0x125: {  	(v2sf) =	vpush v1, $0xA;
	s0 =	sor.u32 s0, s2  }
0x126: {  	s0 =	sshra.s32 s0, $0x2  }
0x127: {  	s0 =	sadd.s32 $0x0, s0;
	[tilespmem:s20+$0x40] =	vst v2  }
0x128: {  	s4 =	sadd.s32 $0x20, s26;
	v2 =	vld [tilespmem:s0+$0x4F80]  }
0x129: {  	s5 =	sand.u32 $0x7F, s4;
	s2 =	sshll.u32 s4, $0x2  }
0x12a: {  	s2 =	sand.u32 $0xFFFFFE00, s2;
	s0 =	sshll.u32 s5, $0x2  }
0x12b: {  	s0 =	sor.u32 s0, s2  }
0x12c: {  	s0 =	sshra.s32 s0, $0x2  }
0x12d: {  	s0 =	sadd.s32 $0x0, s0;
	[tilespmem:s20+$0x50] =	vst v2  }
0x12e: {  	s1 =	sadd.s32 $0x30, s26;
	v2 =	vld [tilespmem:s0+$0x4F80]  }
0x12f: {  	s6 =	sand.u32 $0x7F, s1;
	s1 =	sshll.u32 s1, $0x2  }
0x130: {  	s1 =	sand.u32 $0xFFFFFE00, s1;
	s0 =	sshll.u32 s6, $0x2  }
0x131: {  	s0 =	sor.u32 s0, s1  }
0x132: {  	s0 =	sshra.s32 s0, $0x2  }
0x133: {  	s0 =	sadd.s32 $0x0, s0;
	[tilespmem:s20+$0x60] =	vst v2  }
0x134: {  	s7 =	spop (v2sf);
	v2 =	vld [tilespmem:s0+$0x4F80]  }
0x135: {  	s8 =	sand.u32 $0x7F, s7;
	s9 =	sshll.u32 s7, $0x2  }
0x136: {  	s2 =	sand.u32 $0xFFFFFE00, s9;
	s0 =	sshll.u32 s8, $0x2  }
0x137: {  	s0 =	sor.u32 s0, s2  }
0x138: {  	s0 =	sshra.s32 s0, $0x2  }
0x139: {  	s0 =	sadd.s32 $0x0, s0;
	[tilespmem:s20+$0x70] =	vst v2  }
0x13a: {  	s10 =	sadd.s32 $0x10, s7;
	v2 =	vld [tilespmem:s0+$0x5000]  }
0x13b: {  	s11 =	sand.u32 $0x7F, s10;
	s2 =	sshll.u32 s10, $0x2  }
0x13c: {  	s2 =	sand.u32 $0xFFFFFE00, s2;
	s0 =	sshll.u32 s11, $0x2  }
0x13d: {  	(v2sf) =	vpush v1, $0xB;
	s0 =	sor.u32 s0, s2  }
0x13e: {  	s0 =	sshra.s32 s0, $0x2  }
0x13f: {  	s0 =	sadd.s32 $0x0, s0;
	[tilespmem:s20+$0x80] =	vst v2  }
0x140: {  	s12 =	sadd.s32 $0x20, s7;
	v2 =	vld [tilespmem:s0+$0x5000]  }
0x141: {  	s13 =	sand.u32 $0x7F, s12;
	s2 =	sshll.u32 s12, $0x2  }
0x142: {  	s2 =	sand.u32 $0xFFFFFE00, s2;
	s0 =	sshll.u32 s13, $0x2  }
0x143: {  	s0 =	sor.u32 s0, s2  }
0x144: {  	s0 =	sshra.s32 s0, $0x2  }
0x145: {  	s0 =	sadd.s32 $0x0, s0;
	[tilespmem:s20+$0x90] =	vst v2  }
0x146: {  	s1 =	sadd.s32 $0x30, s7;
	v2 =	vld [tilespmem:s0+$0x5000]  }
0x147: {  	s14 =	sand.u32 $0x7F, s1;
	s1 =	sshll.u32 s1, $0x2  }
0x148: {  	s1 =	sand.u32 $0xFFFFFE00, s1;
	s0 =	sshll.u32 s14, $0x2  }
0x149: {  	s0 =	sor.u32 s0, s1  }
0x14a: {  	s0 =	sshra.s32 s0, $0x2  }
0x14b: {  	s0 =	sadd.s32 $0x0, s0;
	[tilespmem:s20+$0xA0] =	vst v2  }
0x14c: {  	s15 =	spop (v2sf);
	v2 =	vld [tilespmem:s0+$0x5000]  }
0x14d: {  	s16 =	sand.u32 $0x7F, s15;
	s17 =	sshll.u32 s15, $0x2  }
0x14e: {  	s2 =	sand.u32 $0xFFFFFE00, s17;
	s0 =	sshll.u32 s16, $0x2  }
0x14f: {  	s0 =	sor.u32 s0, s2  }
0x150: {  	s0 =	sshra.s32 s0, $0x2  }
0x151: {  	s0 =	sadd.s32 $0x0, s0;
	[tilespmem:s20+$0xB0] =	vst v2  }
0x152: {  	s18 =	sadd.s32 $0x10, s15;
	v2 =	vld [tilespmem:s0+$0x5080]  }
0x153: {  	s19 =	sand.u32 $0x7F, s18;
	s2 =	sshll.u32 s18, $0x2  }
0x154: {  	s2 =	sand.u32 $0xFFFFFE00, s2;
	s0 =	sshll.u32 s19, $0x2  }
0x155: {  	(v2sf) =	vpush v1, $0xC;
	s0 =	sor.u32 s0, s2  }
0x156: {  	s0 =	sshra.s32 s0, $0x2  }
0x157: {  	s0 =	sadd.s32 $0x0, s0;
	[tilespmem:s20+$0xC0] =	vst v2  }
0x158: {  	s21 =	sadd.s32 $0x20, s15;
	v2 =	vld [tilespmem:s0+$0x5080]  }
0x159: {  	s22 =	sand.u32 $0x7F, s21;
	s2 =	sshll.u32 s21, $0x2  }
0x15a: {  	s2 =	sand.u32 $0xFFFFFE00, s2;
	s0 =	sshll.u32 s22, $0x2  }
0x15b: {  	s0 =	sor.u32 s0, s2  }
0x15c: {  	s0 =	sshra.s32 s0, $0x2  }
0x15d: {  	s0 =	sadd.s32 $0x0, s0;
	[tilespmem:s20+$0xD0] =	vst v2  }
0x15e: {  	s1 =	sadd.s32 $0x30, s15;
	v2 =	vld [tilespmem:s0+$0x5080]  }
0x15f: {  	s23 =	sand.u32 $0x7F, s1;
	s1 =	sshll.u32 s1, $0x2  }
0x160: {  	s1 =	sand.u32 $0xFFFFFE00, s1;
	s0 =	sshll.u32 s23, $0x2  }
0x161: {  	s0 =	sor.u32 s0, s1  }
0x162: {  	s0 =	sshra.s32 s0, $0x2  }
0x163: {  	s0 =	sadd.s32 $0x0, s0;
	[tilespmem:s20+$0xE0] =	vst v2  }
0x164: {  	s24 =	spop (v2sf);
	v2 =	vld [tilespmem:s0+$0x5080]  }
0x165: {  	s25 =	sand.u32 $0x7F, s24;
	s26 =	sshll.u32 s24, $0x2  }
0x166: {  	s2 =	sand.u32 $0xFFFFFE00, s26;
	s0 =	sshll.u32 s25, $0x2  }
0x167: {  	s0 =	sor.u32 s0, s2  }
0x168: {  	s0 =	sshra.s32 s0, $0x2  }
0x169: {  	s0 =	sadd.s32 $0x0, s0;
	[tilespmem:s20+$0xF0] =	vst v2  }
0x16a: {  	s28 =	sadd.s32 $0x10, s24;
	v2 =	vld [tilespmem:s0+$0x5100]  }
0x16b: {  	s29 =	sand.u32 $0x7F, s28;
	s2 =	sshll.u32 s28, $0x2  }
0x16c: {  	s2 =	sand.u32 $0xFFFFFE00, s2;
	s0 =	sshll.u32 s29, $0x2  }
0x16d: {  	(v2sf) =	vpush v1, $0xD;
	s0 =	sor.u32 s0, s2  }
0x16e: {  	s0 =	sshra.s32 s0, $0x2  }
0x16f: {  	s0 =	sadd.s32 $0x0, s0;
	[tilespmem:s20+$0x100] =	vst v2  }
0x170: {  	s30 =	sadd.s32 $0x20, s24;
	v2 =	vld [tilespmem:s0+$0x5100]  }
0x171: {  	s3 =	sand.u32 $0x7F, s30;
	s2 =	sshll.u32 s30, $0x2  }
0x172: {  	s2 =	sand.u32 $0xFFFFFE00, s2;
	s0 =	sshll.u32 s3, $0x2  }
0x173: {  	s0 =	sor.u32 s0, s2  }
0x174: {  	s0 =	sshra.s32 s0, $0x2  }
0x175: {  	s0 =	sadd.s32 $0x0, s0;
	[tilespmem:s20+$0x110] =	vst v2  }
0x176: {  	s1 =	sadd.s32 $0x30, s24;
	v2 =	vld [tilespmem:s0+$0x5100]  }
0x177: {  	s4 =	sand.u32 $0x7F, s1;
	s1 =	sshll.u32 s1, $0x2  }
0x178: {  	s1 =	sand.u32 $0xFFFFFE00, s1;
	s0 =	sshll.u32 s4, $0x2  }
0x179: {  	s0 =	sor.u32 s0, s1  }
0x17a: {  	s0 =	sshra.s32 s0, $0x2  }
0x17b: {  	s0 =	sadd.s32 $0x0, s0;
	[tilespmem:s20+$0x120] =	vst v2  }
0x17c: {  	s5 =	spop (v2sf);
	v2 =	vld [tilespmem:s0+$0x5100]  }
0x17d: {  	s6 =	sand.u32 $0x7F, s5;
	s7 =	sshll.u32 s5, $0x2  }
0x17e: {  	s2 =	sand.u32 $0xFFFFFE00, s7;
	s0 =	sshll.u32 s6, $0x2  }
0x17f: {  	s0 =	sor.u32 s0, s2  }
0x180: {  	s0 =	sshra.s32 s0, $0x2  }
0x181: {  	s0 =	sadd.s32 $0x0, s0;
	[tilespmem:s20+$0x130] =	vst v2  }
0x182: {  	s8 =	sadd.s32 $0x10, s5;
	v2 =	vld [tilespmem:s0+$0x5180]  }
0x183: {  	s9 =	sand.u32 $0x7F, s8;
	s2 =	sshll.u32 s8, $0x2  }
0x184: {  	s2 =	sand.u32 $0xFFFFFE00, s2;
	s0 =	sshll.u32 s9, $0x2  }
0x185: {  	(v2sf) =	vpush v1, $0xE;
	s0 =	sor.u32 s0, s2  }
0x186: {  	s0 =	sshra.s32 s0, $0x2  }
0x187: {  	s0 =	sadd.s32 $0x0, s0;
	[tilespmem:s20+$0x140] =	vst v2  }
0x188: {  	s10 =	sadd.s32 $0x20, s5;
	v2 =	vld [tilespmem:s0+$0x5180]  }
0x189: {  	s11 =	sand.u32 $0x7F, s10;
	s2 =	sshll.u32 s10, $0x2  }
0x18a: {  	s2 =	sand.u32 $0xFFFFFE00, s2;
	s0 =	sshll.u32 s11, $0x2  }
0x18b: {  	s0 =	sor.u32 s0, s2  }
0x18c: {  	s0 =	sshra.s32 s0, $0x2  }
0x18d: {  	s0 =	sadd.s32 $0x0, s0;
	[tilespmem:s20+$0x150] =	vst v2  }
0x18e: {  	s1 =	sadd.s32 $0x30, s5;
	v2 =	vld [tilespmem:s0+$0x5180]  }
0x18f: {  	s12 =	sand.u32 $0x7F, s1;
	s1 =	sshll.u32 s1, $0x2  }
0x190: {  	s1 =	sand.u32 $0xFFFFFE00, s1;
	s0 =	sshll.u32 s12, $0x2  }
0x191: {  	s0 =	sor.u32 s0, s1  }
0x192: {  	s0 =	sshra.s32 s0, $0x2  }
0x193: {  	s0 =	sadd.s32 $0x0, s0;
	[tilespmem:s20+$0x160] =	vst v2  }
0x194: {  	s13 =	spop (v2sf);
	v2 =	vld [tilespmem:s0+$0x5180]  }
0x195: {  	s14 =	sand.u32 $0x7F, s13;
	s15 =	sshll.u32 s13, $0x2  }
0x196: {  	s2 =	sand.u32 $0xFFFFFE00, s15;
	s0 =	sshll.u32 s14, $0x2  }
0x197: {  	s0 =	sor.u32 s0, s2  }
0x198: {  	s0 =	sshra.s32 s0, $0x2  }
0x199: {  	s0 =	sadd.s32 $0x0, s0;
	[tilespmem:s20+$0x170] =	vst v2  }
0x19a: {  	s16 =	sadd.s32 $0x10, s13;
	v2 =	vld [tilespmem:s0+$0x5200]  }
0x19b: {  	s17 =	sand.u32 $0x7F, s16;
	s2 =	sshll.u32 s16, $0x2  }
0x19c: {  	s2 =	sand.u32 $0xFFFFFE00, s2;
	s0 =	sshll.u32 s17, $0x2  }
0x19d: {  	(v2sf) =	vpush v1, $0xF;
	s0 =	sor.u32 s0, s2  }
0x19e: {  	s0 =	sshra.s32 s0, $0x2  }
0x19f: {  	s0 =	sadd.s32 $0x0, s0;
	[tilespmem:s20+$0x180] =	vst v2  }
0x1a0: {  	s18 =	sadd.s32 $0x20, s13;
	v1 =	vld [tilespmem:s0+$0x5200]  }
0x1a1: {  	s19 =	sand.u32 $0x7F, s18;
	s2 =	sshll.u32 s18, $0x2  }
0x1a2: {  	s2 =	sand.u32 $0xFFFFFE00, s2;
	s0 =	sshll.u32 s19, $0x2  }
0x1a3: {  	s0 =	sor.u32 s0, s2  }
0x1a4: {  	s0 =	sshra.s32 s0, $0x2  }
0x1a5: {  	s0 =	sadd.s32 $0x0, s0;
	[tilespmem:s20+$0x190] =	vst v1  }
0x1a6: {  	s1 =	sadd.s32 $0x30, s13;
	v1 =	vld [tilespmem:s0+$0x5200]  }
0x1a7: {  	s21 =	sand.u32 $0x7F, s1;
	s1 =	sshll.u32 s1, $0x2  }
0x1a8: {  	s1 =	sand.u32 $0xFFFFFE00, s1;
	s0 =	sshll.u32 s21, $0x2  }
0x1a9: {  	s0 =	sor.u32 s0, s1  }
0x1aa: {  	s0 =	sshra.s32 s0, $0x2  }
0x1ab: {  	s0 =	sadd.s32 $0x0, s0;
	[tilespmem:s20+$0x1A0] =	vst v1  }
0x1ac: {  	s22 =	spop (v2sf);
	v1 =	vld [tilespmem:s0+$0x5200]  }
0x1ad: {  	s23 =	sand.u32 $0x7F, s22;
	s24 =	sshll.u32 s22, $0x2  }
0x1ae: {  	s2 =	sand.u32 $0xFFFFFE00, s24;
	s0 =	sshll.u32 s23, $0x2  }
0x1af: {  	s0 =	sor.u32 s0, s2  }
0x1b0: {  	s0 =	sshra.s32 s0, $0x2  }
0x1b1: {  	s0 =	sadd.s32 $0x0, s0;
	[tilespmem:s20+$0x1B0] =	vst v1  }
0x1b2: {  	s25 =	sadd.s32 $0x10, s22;
	v1 =	vld [tilespmem:s0+$0x5280]  }
0x1b3: {  	s26 =	sand.u32 $0x7F, s25;
	s2 =	sshll.u32 s25, $0x2  }
0x1b4: {  	s2 =	sand.u32 $0xFFFFFE00, s2;
	s0 =	sshll.u32 s26, $0x2  }
0x1b5: {  	s0 =	sor.u32 s0, s2  }
0x1b6: {  	s0 =	sshra.s32 s0, $0x2  }
0x1b7: {  	s0 =	sadd.s32 $0x0, s0;
	[tilespmem:s20+$0x1C0] =	vst v1  }
0x1b8: {  	s28 =	sadd.s32 $0x20, s22;
	v1 =	vld [tilespmem:s0+$0x5280]  }
0x1b9: {  	s29 =	sand.u32 $0x7F, s28;
	s2 =	sshll.u32 s28, $0x2  }
0x1ba: {  	s2 =	sand.u32 $0xFFFFFE00, s2;
	s0 =	sshll.u32 s29, $0x2  }
0x1bb: {  	s0 =	sor.u32 s0, s2  }
0x1bc: {  	s0 =	sshra.s32 s0, $0x2  }
0x1bd: {  	s0 =	sadd.s32 $0x0, s0;
	[tilespmem:s20+$0x1D0] =	vst v1  }
0x1be: {  	s1 =	sadd.s32 $0x30, s22;
	v1 =	vld [tilespmem:s0+$0x5280]  }
0x1bf: {  	s30 =	sand.u32 $0x7F, s1;
	s1 =	sshll.u32 s1, $0x2  }
0x1c0: {  	s1 =	sand.u32 $0xFFFFFE00, s1;
	s0 =	sshll.u32 s30, $0x2  }
0x1c1: {  	s0 =	sor.u32 s0, s1  }
0x1c2: {  	s0 =	sshra.s32 s0, $0x2  }
0x1c3: {  	s0 =	sadd.s32 $0x0, s0;
	[tilespmem:s20+$0x1E0] =	vst v1  }
0x1c4: {  	[dreg:$0x15] =	wrdreg s31;
	s21 =	simm.s32 $0x2000;
	v1 =	vld [tilespmem:s0+$0x5280]  }
.LBB2_5:
0x1c5: {  	_ =	sdelay $0x3  }
0x1c6: {  	s31 =	sadd.s32 $0x10, s31;
	[tilespmem:s20+$0x1F0] =	vst v1  }
0x1c7: {  	v1 =	vld [tilespmem:s31+$0x0];
	_ =	sdelay $0x4  }
0x1c8: {  	(v2sf) =	vpush v1, $0x0;
	_ =	sdelay $0x3  }
0x1c9: {  	(v2sf) =	vpush v1, $0x1;
	_ =	sdelay $0xa  }
0x1ca: {  	s0 =	smov.u32 s21;
	s26 =	spop (v2sf)  }
0x1cb: {  	s23 =	sshra.s32 s0, $0x2;
	s20 =	sadd.s32 $0x400, s20;
	s1 =	sand.u32 $0x7F, s26  }
0x1cc: {  	s2 =	sshll.u32 s26, $0x2;
	s3 =	sadd.s32 $0x10, s26;
	s30 =	sadd.s32 $0x20, s26  }
0x1cd: {  	s0 =	sadd.s32 $0x30, s26;
	s2 =	sand.u32 $0xFFFFFE00, s2;
	s1 =	sshll.u32 s1, $0x2  }
0x1ce: {  	s6 =	spop (v2sf);
	s4 =	sand.u32 $0x7F, s3;
	s1 =	sor.u32 s1, s2  }
0x1cf: {  	(v2sf) =	vpush v1, $0x2;
	s28 =	sshll.u32 s3, $0x2;
	s5 =	sand.u32 $0x7F, s30;
	s1 =	sshra.s32 s1, $0x2  }
0x1d0: {  	s7 =	sshll.u32 s30, $0x2;
	s8 =	sand.u32 $0x7F, s6;
	s1 =	sadd.s32 s23, s1  }
0x1d1: {  	(v2sf) =	vpush v1, $0x3;
	s9 =	sand.u32 $0x7F, s0;
	s0 =	sshll.u32 s0, $0x2;
	s10 =	sadd.s32 $0x10, s6;
	v2 =	vld [tilespmem:s1+$0x4B00]  }
0x1d2: {  	s12 =	sadd.s32 $0x20, s6;
	s15 =	sadd.s32 $0x30, s6;
	s29 =	sshll.u32 s4, $0x2  }
0x1d3: {  	s2 =	sand.u32 $0xFFFFFE00, s28;
	s3 =	sshll.u32 s5, $0x2;
	s0 =	sand.u32 $0xFFFFFE00, s0  }
0x1d4: {  	s5 =	sshll.u32 s6, $0x2;
	s4 =	sshll.u32 s8, $0x2;
	s2 =	sor.u32 s29, s2  }
0x1d5: {  	s11 =	sand.u32 $0x7F, s10;
	s13 =	sand.u32 $0x7F, s12;
	s2 =	sshra.s32 s2, $0x2  }
0x1d6: {  	s6 =	sshll.u32 s15, $0x2;
	s5 =	sand.u32 $0xFFFFFE00, s5;
	s2 =	sadd.s32 s23, s2;
	[tilespmem:s20+$0xFFFFFE00] =	vst v2  }
0x1d7: {  	s17 =	sand.u32 $0x7F, s15;
	s18 =	sand.u32 $0xFFFFFE00, s6;
	s4 =	sor.u32 s4, s5;
	v2 =	vld [tilespmem:s2+$0x4B00]  }
0x1d8: {  	s1 =	sand.u32 $0xFFFFFE00, s7;
	s5 =	sshra.s32 s4, $0x2;
	s7 =	sshll.u32 s12, $0x2  }
0x1d9: {  	s1 =	sor.u32 s3, s1;
	s3 =	sshll.u32 s9, $0x2;
	s14 =	sand.u32 $0xFFFFFE00, s7  }
0x1da: {  	s5 =	sadd.s32 s23, s5;
	s1 =	sshra.s32 s1, $0x2;
	s2 =	sshll.u32 s10, $0x2  }
0x1db: {  	s0 =	sor.u32 s3, s0;
	s3 =	sshll.u32 s11, $0x2;
	s2 =	sand.u32 $0xFFFFFE00, s2  }
0x1dc: {  	s1 =	sadd.s32 s23, s1;
	s2 =	sor.u32 s3, s2;
	s3 =	sshll.u32 s13, $0x2;
	[tilespmem:s20+$0xFFFFFE10] =	vst v2  }
0x1dd: {  	s0 =	sshra.s32 s0, $0x2;
	s4 =	sshra.s32 s2, $0x2;
	s2 =	sor.u32 s3, s14;
	v2 =	vld [tilespmem:s1+$0x4B00]  }
0x1de: {  	s0 =	sadd.s32 s23, s0;
	s19 =	spop (v2sf);
	s16 =	sshra.s32 s2, $0x2  }
0x1df: {  	s2 =	sshll.u32 s17, $0x2;
	s22 =	sand.u32 $0x7F, s19;
	s8 =	sshll.u32 s19, $0x2  }
0x1e0: {  	s25 =	sadd.s32 $0x10, s19;
	s6 =	sadd.s32 $0x30, s19;
	s13 =	spop (v2sf)  }
0x1e1: {  	s4 =	sadd.s32 s23, s4;
	s3 =	sadd.s32 s23, s16;
	s24 =	sand.u32 $0xFFFFFE00, s8  }
0x1e2: {  	(v2sf) =	vpush v1, $0x4;
	s7 =	sshll.u32 s22, $0x2;
	s28 =	sand.u32 $0x7F, s25;
	s8 =	sadd.s32 $0x20, s19;
	[tilespmem:s20+$0xFFFFFE20] =	vst v2  }
0x1e3: {  	s10 =	sand.u32 $0x7F, s6;
	s6 =	sshll.u32 s6, $0x2;
	s14 =	sand.u32 $0x7F, s13;
	v2 =	vld [tilespmem:s0+$0x4B00]  }
0x1e4: {  	s16 =	sadd.s32 $0x10, s13;
	s22 =	sadd.s32 $0x20, s13;
	s1 =	sor.u32 s2, s18  }
0x1e5: {  	s30 =	sshll.u32 s28, $0x2;
	s9 =	sand.u32 $0x7F, s8;
	s12 =	sshll.u32 s10, $0x2  }
0x1e6: {  	s6 =	sand.u32 $0xFFFFFE00, s6;
	s17 =	sand.u32 $0x7F, s16;
	s18 =	sshll.u32 s16, $0x2  }
0x1e7: {  	s1 =	sshra.s32 s1, $0x2;
	s6 =	sor.u32 s12, s6;
	s19 =	sshll.u32 s17, $0x2  }
0x1e8: {  	s2 =	sadd.s32 s23, s1;
	s1 =	sor.u32 s7, s24;
	s7 =	sshll.u32 s25, $0x2;
	[tilespmem:s20+$0xFFFFFE30] =	vst v2  }
0x1e9: {  	(v2sf) =	vpush v1, $0x5;
	s6 =	sshra.s32 s6, $0x2;
	s24 =	sand.u32 $0x7F, s22;
	s26 =	sshra.s32 s1, $0x2;
	v2 =	vld [tilespmem:s5+$0x4B80]  }
0x1ea: {  	s29 =	sand.u32 $0xFFFFFE00, s7;
	s7 =	sshll.u32 s8, $0x2;
	s8 =	sshll.u32 s9, $0x2  }
0x1eb: {  	s9 =	sshll.u32 s13, $0x2;
	s12 =	sadd.s32 s23, s6;
	s7 =	sand.u32 $0xFFFFFE00, s7  }
0x1ec: {  	s1 =	sadd.s32 s23, s26;
	s9 =	sand.u32 $0xFFFFFE00, s9;
	s7 =	sor.u32 s8, s7  }
0x1ed: {  	s8 =	sadd.s32 $0x30, s13;
	s0 =	sor.u32 s30, s29;
	s11 =	sshra.s32 s7, $0x2  }
0x1ee: {  	s7 =	sshll.u32 s14, $0x2;
	s26 =	sand.u32 $0x7F, s8;
	s28 =	sshll.u32 s8, $0x2;
	[tilespmem:s20+$0xFFFFFE40] =	vst v2  }
0x1ef: {  	s0 =	sshra.s32 s0, $0x2;
	s15 =	sor.u32 s7, s9;
	s7 =	sshll.u32 s22, $0x2;
	v2 =	vld [tilespmem:s4+$0x4B80]  }
0x1f0: {  	s6 =	sshra.s32 s15, $0x2;
	s7 =	sand.u32 $0xFFFFFE00, s7;
	s5 =	sadd.s32 s23, s11  }
0x1f1: {  	s11 =	sadd.s32 s23, s6;
	s6 =	sshll.u32 s24, $0x2;
	s30 =	spop (v2sf);
	(v2sf) =	vpush v1, $0x6  }
0x1f2: {  	s29 =	sand.u32 $0xFFFFFE00, s28;
	s0 =	sadd.s32 s23, s0;
	s25 =	sor.u32 s6, s7  }
0x1f3: {  	s6 =	sshll.u32 s26, $0x2;
	s8 =	sand.u32 $0x7F, s30;
	s13 =	sshll.u32 s30, $0x2  }
0x1f4: {  	s15 =	sadd.s32 $0x10, s30;
	s7 =	sand.u32 $0xFFFFFE00, s13;
	s4 =	sand.u32 $0xFFFFFE00, s18;
	[tilespmem:s20+$0xFFFFFE50] =	vst v2  }
0x1f5: {  	s13 =	sand.u32 $0x7F, s15;
	s4 =	sor.u32 s19, s4;
	s19 =	sadd.s32 $0x20, s30;
	v2 =	vld [tilespmem:s3+$0x4B80]  }
0x1f6: {  	s17 =	sshll.u32 s13, $0x2;
	s4 =	sshra.s32 s4, $0x2;
	s22 =	sand.u32 $0x7F, s19  }
0x1f7: {  	s10 =	sadd.s32 s23, s4;
	s4 =	sshra.s32 s25, $0x2;
	s25 =	sshll.u32 s22, $0x2  }
0x1f8: {  	s9 =	sadd.s32 s23, s4;
	s4 =	sadd.s32 $0x30, s30;
	s30 =	spop (v2sf)  }
0x1f9: {  	s26 =	sand.u32 $0x7F, s4;
	s4 =	sshll.u32 s4, $0x2;
	s22 =	sadd.s32 $0x20, s30  }
0x1fa: {  	s13 =	sadd.s32 $0x30, s30;
	s3 =	sor.u32 s6, s29;
	s6 =	sshll.u32 s8, $0x2;
	[tilespmem:s20+$0xFFFFFE60] =	vst v2  }
0x1fb: {  	s28 =	sand.u32 $0xFFFFFE00, s4;
	s3 =	sshra.s32 s3, $0x2;
	s14 =	sor.u32 s6, s7;
	v2 =	vld [tilespmem:s2+$0x4B80]  }
0x1fc: {  	s6 =	sshll.u32 s15, $0x2;
	s8 =	sadd.s32 s23, s3;
	s3 =	sshra.s32 s14, $0x2  }
0x1fd: {  	s16 =	sand.u32 $0xFFFFFE00, s6;
	s14 =	sshll.u32 s30, $0x2;
	s7 =	sadd.s32 s23, s3  }
0x1fe: {  	s18 =	sor.u32 s17, s16;
	s3 =	sshll.u32 s19, $0x2;
	s17 =	sand.u32 $0x7F, s30  }
0x1ff: {  	s19 =	sadd.s32 $0x10, s30;
	s24 =	sand.u32 $0xFFFFFE00, s3;
	s3 =	sshll.u32 s26, $0x2  }
0x200: {  	s30 =	spop (v2sf);
	s15 =	sand.u32 $0x7F, s19;
	s29 =	sor.u32 s3, s28;
	[tilespmem:s20+$0xFFFFFE70] =	vst v2  }
0x201: {  	s15 =	sshll.u32 s15, $0x2;
	s2 =	sshra.s32 s18, $0x2;
	s16 =	sshra.s32 s29, $0x2;
	v2 =	vld [tilespmem:s1+$0x4C00]  }
0x202: {  	(v2sf) =	vpush v1, $0x7;
	s18 =	sand.u32 $0xFFFFFE00, s14;
	s14 =	sshll.u32 s22, $0x2;
	s29 =	sand.u32 $0x7F, s13  }
0x203: {  	s13 =	sshll.u32 s13, $0x2;
	s6 =	sadd.s32 s23, s2;
	s2 =	sor.u32 s25, s24  }
0x204: {  	s3 =	sadd.s32 s23, s16;
	s16 =	sshll.u32 s19, $0x2;
	s2 =	sshra.s32 s2, $0x2  }
0x205: {  	s25 =	sand.u32 $0x7F, s22;
	s4 =	sadd.s32 s23, s2;
	s2 =	sshll.u32 s17, $0x2  }
0x206: {  	s14 =	sand.u32 $0xFFFFFE00, s14;
	s13 =	sand.u32 $0xFFFFFE00, s13;
	s1 =	sor.u32 s2, s18;
	[tilespmem:s20+$0xFFFFFE80] =	vst v2  }
0x207: {  	s24 =	sand.u32 $0xFFFFFE00, s16;
	s17 =	sshll.u32 s30, $0x2;
	s1 =	sshra.s32 s1, $0x2;
	v2 =	vld [tilespmem:s0+$0x4C00]  }
0x208: {  	s19 =	sand.u32 $0xFFFFFE00, s17;
	s18 =	sand.u32 $0x7F, s30;
	s2 =	sadd.s32 s23, s1  }
0x209: {  	s1 =	sor.u32 s15, s24;
	s15 =	sshll.u32 s25, $0x2;
	s24 =	sadd.s32 $0x10, s30  }
0x20a: {  	s25 =	sadd.s32 $0x20, s30;
	s26 =	sshra.s32 s1, $0x2;
	s28 =	sor.u32 s15, s14  }
0x20b: {  	s14 =	sshll.u32 s29, $0x2;
	s16 =	sshll.u32 s25, $0x2;
	s1 =	sadd.s32 s23, s26  }
0x20c: {  	s13 =	sor.u32 s14, s13;
	s26 =	sand.u32 $0x7F, s24;
	s16 =	sand.u32 $0xFFFFFE00, s16;
	[tilespmem:s20+$0xFFFFFE90] =	vst v2  }
0x20d: {  	(v2sf) =	vpush v1, $0x8;
	s14 =	sadd.s32 $0x30, s30;
	s13 =	sshra.s32 s13, $0x2;
	s17 =	sshll.u32 s26, $0x2;
	v2 =	vld [tilespmem:s5+$0x4C00]  }
0x20e: {  	s30 =	sand.u32 $0x7F, s14;
	s15 =	sadd.s32 s23, s13;
	s13 =	sshll.u32 s24, $0x2  }
0x20f: {  	s0 =	sshra.s32 s28, $0x2;
	s28 =	sand.u32 $0x7F, s25;
	s13 =	sand.u32 $0xFFFFFE00, s13  }
0x210: {  	s14 =	sshll.u32 s14, $0x2;
	s13 =	sor.u32 s17, s13;
	s17 =	sshll.u32 s28, $0x2  }
0x211: {  	s29 =	sor.u32 s17, s16;
	s17 =	sand.u32 $0xFFFFFE00, s14;
	s14 =	spop (v2sf)  }
0x212: {  	s22 =	sshll.u32 s18, $0x2;
	s18 =	sshll.u32 s30, $0x2;
	s28 =	sadd.s32 $0x10, s14;
	[tilespmem:s20+$0xFFFFFEA0] =	vst v2  }
0x213: {  	s5 =	sor.u32 s22, s19;
	s19 =	sand.u32 $0x7F, s14;
	s22 =	sshll.u32 s14, $0x2;
	v2 =	vld [tilespmem:s12+$0x4C00]  }
0x214: {  	s30 =	sand.u32 $0x7F, s28;
	s24 =	sand.u32 $0xFFFFFE00, s22;
	s16 =	sshll.u32 s19, $0x2  }
0x215: {  	s25 =	sor.u32 s16, s24;
	s24 =	sadd.s32 $0x30, s14;
	s12 =	sshra.s32 s29, $0x2  }
0x216: {  	(v2sf) =	vpush v1, $0x9;
	s29 =	sadd.s32 $0x20, s14;
	s26 =	sadd.s32 s23, s12;
	s12 =	sor.u32 s18, s17  }
0x217: {  	s18 =	sshll.u32 s30, $0x2;
	s16 =	sshll.u32 s29, $0x2;
	s12 =	sshra.s32 s12, $0x2  }
0x218: {  	s19 =	sand.u32 $0x7F, s29;
	s16 =	sand.u32 $0xFFFFFE00, s16;
	s12 =	sadd.s32 s23, s12;
	[tilespmem:s20+$0xFFFFFEB0] =	vst v2  }
0x219: {  	[dreg:$0x7] =	wrdreg s12;
	s12 =	sshll.u32 s28, $0x2;
	v2 =	vld [tilespmem:s11+$0x4C80];
	s11 =	sshra.s32 s25, $0x2  }
0x21a: {  	s12 =	sand.u32 $0xFFFFFE00, s12;
	s25 =	sand.u32 $0x7F, s24;
	s11 =	sadd.s32 s23, s11  }
0x21b: {  	[dreg:$0x3] =	wrdreg s11;
	s11 =	sor.u32 s18, s12;
	s12 =	sshll.u32 s19, $0x2  }
0x21c: {  	s11 =	sshra.s32 s11, $0x2;
	s22 =	sor.u32 s12, s16;
	s12 =	spop (v2sf)  }
0x21d: {  	s11 =	sadd.s32 s23, s11;
	[dreg:$0x4] =	wrdreg s22;
	s28 =	sand.u32 $0x7F, s12  }
0x21e: {  	s29 =	sshll.u32 s12, $0x2;
	s30 =	sadd.s32 $0x10, s12;
	s22 =	sadd.s32 $0x20, s12  }
0x21f: {  	[tilespmem:s20+$0xFFFFFEC0] =	vst v2;
	[dreg:$0x6] =	wrdreg s11;
	s11 =	sshll.u32 s24, $0x2;
	s14 =	sshll.u32 s28, $0x2  }
0x220: {  	s18 =	sand.u32 $0x7F, s30;
	s19 =	sshll.u32 s30, $0x2;
	s30 =	sadd.s32 $0x30, s12;
	v2 =	vld [tilespmem:s10+$0x4C80]  }
0x221: {  	s11 =	sand.u32 $0xFFFFFE00, s11;
	s10 =	sshll.u32 s25, $0x2;
	s24 =	sand.u32 $0xFFFFFE00, s19  }
0x222: {  	(v2sf) =	vpush v1, $0xA;
	s25 =	sand.u32 $0x7F, s22;
	s12 =	sand.u32 $0x7F, s30;
	s10 =	sor.u32 s10, s11  }
0x223: {  	s11 =	sand.u32 $0xFFFFFE00, s29;
	s29 =	sshll.u32 s25, $0x2;
	s16 =	sshll.u32 s12, $0x2  }
0x224: {  	s10 =	sshra.s32 s10, $0x2;
	s17 =	sor.u32 s14, s11;
	s14 =	sshll.u32 s22, $0x2  }
0x225: {  	s11 =	spop (v2sf);
	s10 =	sadd.s32 s23, s10;
	[dreg:$0x5] =	wrdreg s17;
	[tilespmem:s20+$0xFFFFFED0] =	vst v2  }
0x226: {  	s28 =	sand.u32 $0xFFFFFE00, s14;
	s17 =	sand.u32 $0x7F, s11;
	s25 =	sadd.s32 $0x10, s11;
	v2 =	vld [tilespmem:s9+$0x4C80]  }
0x227: {  	[dreg:$0x9] =	wrdreg s10;
	s10 =	sshll.u32 s18, $0x2;
	s18 =	sshll.u32 s11, $0x2  }
0x228: {  	s12 =	sadd.s32 $0x30, s11;
	s22 =	sand.u32 $0xFFFFFE00, s18;
	s9 =	sor.u32 s10, s24  }
0x229: {  	s10 =	sshll.u32 s30, $0x2;
	[dreg:$0xa] =	wrdreg s9;
	s9 =	sor.u32 s29, s28  }
0x22a: {  	s14 =	sand.u32 $0xFFFFFE00, s10;
	s10 =	sshll.u32 s17, $0x2;
	s28 =	sand.u32 $0x7F, s25  }
0x22b: {  	s9 =	sshra.s32 s9, $0x2;
	s24 =	sor.u32 s10, s22;
	s30 =	sshll.u32 s28, $0x2;
	[tilespmem:s20+$0xFFFFFEE0] =	vst v2  }
0x22c: {  	s10 =	sadd.s32 $0x20, s11;
	s22 =	sshll.u32 s12, $0x2;
	s9 =	sadd.s32 s23, s9;
	v2 =	vld [tilespmem:s8+$0x4C80]  }
0x22d: {  	[dreg:$0x8] =	wrdreg s9;
	s9 =	sor.u32 s16, s14;
	s14 =	sand.u32 $0x7F, s10  }
0x22e: {  	s19 =	sshra.s32 s9, $0x2;
	s9 =	sshll.u32 s25, $0x2;
	s18 =	sshll.u32 s14, $0x2  }
0x22f: {  	s8 =	sadd.s32 s23, s19;
	s29 =	sand.u32 $0xFFFFFE00, s9;
	s9 =	sshll.u32 s10, $0x2  }
0x230: {  	s19 =	sand.u32 $0x7F, s12;
	[dreg:$0xb] =	wrdreg s8;
	s8 =	sshra.s32 s24, $0x2  }
0x231: {  	s25 =	spop (v2sf);
	s17 =	sand.u32 $0xFFFFFE00, s9;
	s8 =	sadd.s32 s23, s8;
	[tilespmem:s20+$0xFFFFFEF0] =	vst v2  }
0x232: {  	(v2sf) =	vpush v1, $0xB;
	s9 =	sand.u32 $0xFFFFFE00, s22;
	[dreg:$0xc] =	wrdreg s8;
	s8 =	sor.u32 s30, s29;
	v2 =	vld [tilespmem:s7+$0x4D00]  }
0x233: {  	s28 =	sand.u32 $0x7F, s25;
	s29 =	sshll.u32 s25, $0x2;
	s8 =	sshra.s32 s8, $0x2  }
0x234: {  	s14 =	sadd.s32 $0x10, s25;
	s11 =	sand.u32 $0xFFFFFE00, s29;
	s16 =	sadd.s32 s23, s8  }
0x235: {  	s8 =	sshll.u32 s19, $0x2;
	[dreg:$0xd] =	wrdreg s16;
	s7 =	sor.u32 s18, s17  }
0x236: {  	s24 =	sor.u32 s8, s9;
	s9 =	sshll.u32 s28, $0x2;
	s16 =	sadd.s32 $0x20, s25  }
0x237: {  	s17 =	sand.u32 $0x7F, s14;
	s25 =	sadd.s32 $0x30, s25;
	s7 =	sshra.s32 s7, $0x2;
	[tilespmem:s20+$0xFFFFFF00] =	vst v2  }
0x238: {  	s12 =	sor.u32 s9, s11;
	s19 =	sshll.u32 s17, $0x2;
	s7 =	sadd.s32 s23, s7;
	v2 =	vld [tilespmem:s6+$0x4D00]  }
0x239: {  	s22 =	sand.u32 $0x7F, s16;
	[dreg:$0xe] =	wrdreg s7;
	s7 =	sshra.s32 s24, $0x2  }
0x23a: {  	s9 =	sshll.u32 s16, $0x2;
	s30 =	sadd.s32 s23, s7;
	s7 =	sshll.u32 s14, $0x2  }
0x23b: {  	(v2sf) =	vpush v1, $0xC;
	s9 =	sand.u32 $0xFFFFFE00, s9;
	s18 =	sand.u32 $0xFFFFFE00, s7;
	s6 =	sshra.s32 s12, $0x2  }
0x23c: {  	s7 =	sshll.u32 s22, $0x2;
	s29 =	sadd.s32 s23, s6;
	s6 =	sor.u32 s19, s18  }
0x23d: {  	s8 =	sand.u32 $0x7F, s25;
	s24 =	sor.u32 s7, s9;
	s6 =	sshra.s32 s6, $0x2;
	[tilespmem:s20+$0xFFFFFF10] =	vst v2  }
0x23e: {  	s7 =	sshll.u32 s25, $0x2;
	s28 =	sadd.s32 s23, s6;
	s6 =	sshra.s32 s24, $0x2;
	v2 =	vld [tilespmem:s4+$0x4D00]  }
0x23f: {  	s9 =	sand.u32 $0xFFFFFE00, s7;
	s25 =	sadd.s32 s23, s6;
	s6 =	sshll.u32 s8, $0x2  }
0x240: {  	s0 =	sadd.s32 s23, s0;
	s4 =	sor.u32 s6, s9  }
0x241: {  	s13 =	sshra.s32 s13, $0x2;
	s6 =	spop (v2sf);
	s4 =	sshra.s32 s4, $0x2  }
0x242: {  	s10 =	sand.u32 $0x7F, s6;
	s11 =	sshll.u32 s6, $0x2;
	s14 =	sadd.s32 $0x10, s6  }
0x243: {  	s16 =	sadd.s32 $0x20, s6;
	s24 =	sadd.s32 s23, s4;
	s12 =	sand.u32 $0xFFFFFE00, s11;
	[tilespmem:s20+$0xFFFFFF20] =	vst v2  }
0x244: {  	s7 =	sshll.u32 s10, $0x2;
	s18 =	sand.u32 $0x7F, s14;
	s22 =	sand.u32 $0x7F, s16;
	v2 =	vld [tilespmem:s3+$0x4D00]  }
0x245: {  	s9 =	sshll.u32 s16, $0x2;
	s4 =	sor.u32 s7, s12;
	s7 =	sshll.u32 s14, $0x2  }
0x246: {  	s17 =	sshra.s32 s4, $0x2;
	s19 =	sand.u32 $0xFFFFFE00, s7;
	s4 =	sshll.u32 s18, $0x2  }
0x247: {  	(v2sf) =	vpush v1, $0xD;
	s7 =	sand.u32 $0xFFFFFE00, s9;
	s3 =	sor.u32 s4, s19;
	s4 =	sshll.u32 s22, $0x2  }
0x248: {  	s11 =	sadd.s32 $0x30, s6;
	s3 =	sshra.s32 s3, $0x2;
	s10 =	sor.u32 s4, s7  }
0x249: {  	s6 =	sand.u32 $0x7F, s11;
	s16 =	sadd.s32 s23, s3;
	s3 =	sshra.s32 s10, $0x2;
	[tilespmem:s20+$0xFFFFFF30] =	vst v2  }
0x24a: {  	s4 =	sshll.u32 s11, $0x2;
	s14 =	sadd.s32 s23, s3;
	s3 =	spop (v2sf);
	v2 =	vld [tilespmem:s2+$0x4D80]  }
0x24b: {  	s18 =	sshll.u32 s6, $0x2;
	s12 =	sand.u32 $0xFFFFFE00, s4;
	s19 =	sand.u32 $0x7F, s3  }
0x24c: {  	s22 =	sshll.u32 s3, $0x2;
	s7 =	sadd.s32 $0x10, s3;
	s8 =	sadd.s32 $0x20, s3  }
0x24d: {  	s6 =	sand.u32 $0xFFFFFE00, s22;
	s4 =	sshll.u32 s19, $0x2;
	s2 =	sor.u32 s18, s12  }
0x24e: {  	s9 =	sand.u32 $0x7F, s7;
	s22 =	sshll.u32 s8, $0x2;
	s2 =	sshra.s32 s2, $0x2  }
0x24f: {  	s12 =	sadd.s32 s23, s2;
	s2 =	sor.u32 s4, s6;
	s4 =	sshll.u32 s7, $0x2;
	[tilespmem:s20+$0xFFFFFF40] =	vst v2  }
0x250: {  	(v2sf) =	vpush v1, $0xE;
	s18 =	sand.u32 $0x7F, s8;
	s2 =	sshra.s32 s2, $0x2;
	s10 =	sand.u32 $0xFFFFFE00, s4;
	v2 =	vld [tilespmem:s1+$0x4D80]  }
0x251: {  	s4 =	sand.u32 $0xFFFFFE00, s22;
	s19 =	sadd.s32 s23, s2;
	s2 =	sshll.u32 s18, $0x2  }
0x252: {  	s11 =	sshll.u32 s9, $0x2;
	s2 =	sor.u32 s2, s4;
	s4 =	sadd.s32 $0x30, s3  }
0x253: {  	s13 =	sadd.s32 s23, s13;
	s1 =	sor.u32 s11, s10;
	s3 =	sand.u32 $0x7F, s4  }
0x254: {  	s5 =	sshra.s32 s5, $0x2;
	s1 =	sshra.s32 s1, $0x2;
	s7 =	sshll.u32 s3, $0x2  }
0x255: {  	s18 =	sadd.s32 s23, s1;
	s1 =	sshra.s32 s2, $0x2;
	s2 =	sshll.u32 s4, $0x2;
	[tilespmem:s20+$0xFFFFFF50] =	vst v2  }
0x256: {  	s11 =	sadd.s32 s23, s1;
	s6 =	sand.u32 $0xFFFFFE00, s2;
	s1 =	spop (v2sf);
	v2 =	vld [tilespmem:s0+$0x4D80]  }
0x257: {  	s5 =	sadd.s32 s23, s5;
	s8 =	sor.u32 s7, s6;
	s22 =	sshll.u32 s1, $0x2  }
0x258: {  	s9 =	sand.u32 $0x7F, s1;
	s4 =	sadd.s32 $0x10, s1;
	s3 =	sand.u32 $0xFFFFFE00, s22  }
0x259: {  	s2 =	sshll.u32 s9, $0x2;
	s6 =	sand.u32 $0x7F, s4;
	s0 =	sshra.s32 s8, $0x2  }
0x25a: {  	s8 =	sshll.u32 s6, $0x2;
	s10 =	sadd.s32 s23, s0;
	s0 =	sor.u32 s2, s3  }
0x25b: {  	s3 =	sadd.s32 $0x20, s1;
	s2 =	sshll.u32 s4, $0x2;
	s1 =	sadd.s32 $0x30, s1;
	[tilespmem:s20+$0xFFFFFF60] =	vst v2  }
0x25c: {  	s0 =	sshra.s32 s0, $0x2;
	s7 =	sand.u32 $0xFFFFFE00, s2;
	s22 =	sand.u32 $0x7F, s3;
	v2 =	vld [tilespmem:s15+$0x4D80]  }
0x25d: {  	(v2sf) =	vpush v1, $0xF;
	s3 =	sshll.u32 s3, $0x2;
	s4 =	sand.u32 $0x7F, s1;
	s1 =	sshll.u32 s1, $0x2  }
0x25e: {  	s9 =	sadd.s32 s23, s0;
	s0 =	sor.u32 s8, s7;
	s3 =	sand.u32 $0xFFFFFE00, s3  }
0x25f: {  	s2 =	sshll.u32 s22, $0x2;
	s6 =	sand.u32 $0xFFFFFE00, s1;
	s1 =	spop (v2sf)  }
0x260: {  	s7 =	sshll.u32 s4, $0x2;
	s0 =	sshra.s32 s0, $0x2;
	s22 =	sand.u32 $0x7F, s1  }
0x261: {  	s3 =	sor.u32 s2, s3;
	s4 =	sshll.u32 s1, $0x2;
	s2 =	sshll.u32 s22, $0x2;
	[tilespmem:s20+$0xFFFFFF70] =	vst v2  }
0x262: {  	s15 =	sadd.s32 s23, s0;
	s0 =	sshra.s32 s3, $0x2;
	s3 =	sadd.s32 $0x20, s1;
	v1 =	vld [tilespmem:s5+$0x4E00]  }
0x263: {  	s8 =	sadd.s32 s23, s0;
	s0 =	sor.u32 s7, s6;
	s6 =	sadd.s32 $0x10, s1  }
0x264: {  	s1 =	sadd.s32 $0x30, s1;
	s0 =	sshra.s32 s0, $0x2;
	s22 =	sand.u32 $0x7F, s6  }
0x265: {  	s7 =	sadd.s32 s23, s0;
	s22 =	sshll.u32 s22, $0x2;
	s5 =	sand.u32 $0xFFFFFE00, s4  }
0x266: {  	s4 =	sand.u32 $0x7F, s3;
	s3 =	sshll.u32 s3, $0x2;
	s0 =	sor.u32 s2, s5  }
0x267: {  	s2 =	sshll.u32 s6, $0x2;
	s3 =	sand.u32 $0xFFFFFE00, s3;
	s0 =	sshra.s32 s0, $0x2;
	[tilespmem:s20+$0xFFFFFF80] =	vst v1  }
0x268: {  	s5 =	sand.u32 $0xFFFFFE00, s2;
	s2 =	sshll.u32 s4, $0x2;
	s6 =	sadd.s32 s23, s0;
	v1 =	vld [tilespmem:s13+$0x4E00]  }
0x269: {  	s0 =	sor.u32 s22, s5;
	s22 =	sand.u32 $0x7F, s1;
	s1 =	sshll.u32 s1, $0x2  }
0x26a: {  	s5 =	sor.u32 s2, s3;
	s0 =	sshra.s32 s0, $0x2;
	s1 =	sand.u32 $0xFFFFFE00, s1  }
0x26b: {  	s3 =	sshll.u32 s22, $0x2;
	s13 =	sadd.s32 s23, s0;
	s0 =	sshra.s32 s5, $0x2  }
0x26c: {  	s5 =	sadd.s32 s23, s0;
	s0 =	sor.u32 s3, s1;
	s1 =	spop (v2sf)  }
0x26d: {  	s0 =	sshra.s32 s0, $0x2;
	s4 =	sand.u32 $0x7F, s1;
	s22 =	sshll.u32 s1, $0x2;
	[tilespmem:s20+$0xFFFFFF90] =	vst v1  }
0x26e: {  	s3 =	sand.u32 $0xFFFFFE00, s22;
	s2 =	sshll.u32 s4, $0x2;
	s4 =	sadd.s32 $0x10, s1;
	v1 =	vld [tilespmem:s26+$0x4E00]  }
0x26f: {  	s22 =	sadd.s32 $0x20, s1;
	s26 =	sadd.s32 s23, s0;
	s0 =	sor.u32 s2, s3  }
0x270: {  	s3 =	sand.u32 $0x7F, s4;
	s2 =	sshll.u32 s4, $0x2;
	s0 =	sshra.s32 s0, $0x2  }
0x271: {  	s2 =	sand.u32 $0xFFFFFE00, s2;
	s3 =	sshll.u32 s3, $0x2;
	s4 =	sadd.s32 s23, s0  }
0x272: {  	s0 =	sor.u32 s3, s2;
	s2 =	sand.u32 $0x7F, s22;
	s22 =	sshll.u32 s22, $0x2  }
0x273: {  	s3 =	sand.u32 $0xFFFFFE00, s22;
	s22 =	sshll.u32 s2, $0x2;
	s2 =	rddreg [dreg:$0x7];
	[tilespmem:s20+$0xFFFFFFA0] =	vst v1  }
0x274: {  	v1 =	vld [tilespmem:s2+$0x4E00]  }
0x275: {  	s1 =	sadd.s32 $0x30, s1  }
0x276: {  	s0 =	sshra.s32 s0, $0x2;
	s3 =	sor.u32 s22, s3;
	s22 =	sshll.u32 s1, $0x2  }
0x277: {  	s2 =	sadd.s32 s23, s0;
	s0 =	sshra.s32 s3, $0x2;
	s3 =	sand.u32 $0x7F, s1  }
0x278: {  	s22 =	sand.u32 $0xFFFFFE00, s22;
	s3 =	sshll.u32 s3, $0x2  }
0x279: {  	s1 =	sadd.s32 s23, s0;
	s0 =	sor.u32 s3, s22;
	s22 =	rddreg [dreg:$0x3];
	[tilespmem:s20+$0xFFFFFFB0] =	vst v1  }
0x27a: {  	v1 =	vld [tilespmem:s22+$0x4E80];
	_ =	sdelay $0x4  }
0x27b: {  	s22 =	rddreg [dreg:$0x6];
	[tilespmem:s20+$0xFFFFFFC0] =	vst v1  }
0x27c: {  	v1 =	vld [tilespmem:s22+$0x4E80];
	_ =	sdelay $0x2  }
0x27d: {  	s22 =	rddreg [dreg:$0x4]  }
0x27e: {  	s3 =	sshra.s32 s22, $0x2  }
0x27f: {  	s3 =	sadd.s32 s23, s3;
	[tilespmem:s20+$0xFFFFFFD0] =	vst v1  }
0x280: {  	v1 =	vld [tilespmem:s3+$0x4E80];
	_ =	sdelay $0x4  }
0x281: {  	s22 =	rddreg [dreg:$0x9];
	[tilespmem:s20+$0xFFFFFFE0] =	vst v1  }
0x282: {  	v1 =	vld [tilespmem:s22+$0x4E80];
	_ =	sdelay $0x2  }
0x283: {  	s22 =	rddreg [dreg:$0x5]  }
0x284: {  	s3 =	sshra.s32 s22, $0x2  }
0x285: {  	s3 =	sadd.s32 s23, s3;
	[tilespmem:s20+$0xFFFFFFF0] =	vst v1  }
0x286: {  	v1 =	vld [tilespmem:s3+$0x4F00];
	_ =	sdelay $0x2  }
0x287: {  	s22 =	rddreg [dreg:$0xa]  }
0x288: {  	s3 =	sshra.s32 s22, $0x2  }
0x289: {  	s3 =	sadd.s32 s23, s3;
	[tilespmem:s20+$0x0] =	vst v1  }
0x28a: {  	v1 =	vld [tilespmem:s3+$0x4F00];
	_ =	sdelay $0x3  }
0x28b: {  	s0 =	sshra.s32 s0, $0x2  }
0x28c: {  	s17 =	sadd.s32 s23, s17;
	s0 =	sadd.s32 s23, s0;
	s23 =	rddreg [dreg:$0x8];
	[tilespmem:s20+$0x10] =	vst v1  }
0x28d: {  	v1 =	vld [tilespmem:s23+$0x4F00];
	_ =	sdelay $0x4  }
0x28e: {  	s22 =	rddreg [dreg:$0xb];
	[tilespmem:s20+$0x20] =	vst v1  }
0x28f: {  	v1 =	vld [tilespmem:s22+$0x4F00];
	_ =	sdelay $0x4  }
0x290: {  	s23 =	rddreg [dreg:$0xc];
	[tilespmem:s20+$0x30] =	vst v1  }
0x291: {  	v1 =	vld [tilespmem:s23+$0x4F80];
	_ =	sdelay $0x4  }
0x292: {  	s22 =	rddreg [dreg:$0xd];
	[tilespmem:s20+$0x40] =	vst v1  }
0x293: {  	v1 =	vld [tilespmem:s22+$0x4F80];
	_ =	sdelay $0x4  }
0x294: {  	s23 =	rddreg [dreg:$0xe];
	[tilespmem:s20+$0x50] =	vst v1  }
0x295: {  	v1 =	vld [tilespmem:s23+$0x4F80];
	_ =	sdelay $0x4  }
0x296: {  	[tilespmem:s20+$0x60] =	vst v1  }
0x297: {  	v1 =	vld [tilespmem:s30+$0x4F80];
	_ =	sdelay $0x4  }
0x298: {  	[tilespmem:s20+$0x70] =	vst v1  }
0x299: {  	v1 =	vld [tilespmem:s29+$0x5000];
	_ =	sdelay $0x4  }
0x29a: {  	[tilespmem:s20+$0x80] =	vst v1  }
0x29b: {  	v1 =	vld [tilespmem:s28+$0x5000];
	_ =	sdelay $0x4  }
0x29c: {  	[tilespmem:s20+$0x90] =	vst v1  }
0x29d: {  	v1 =	vld [tilespmem:s25+$0x5000];
	_ =	sdelay $0x4  }
0x29e: {  	[tilespmem:s20+$0xA0] =	vst v1  }
0x29f: {  	v1 =	vld [tilespmem:s24+$0x5000];
	_ =	sdelay $0x4  }
0x2a0: {  	[tilespmem:s20+$0xB0] =	vst v1  }
0x2a1: {  	v1 =	vld [tilespmem:s17+$0x5080];
	_ =	sdelay $0x4  }
0x2a2: {  	[tilespmem:s20+$0xC0] =	vst v1  }
0x2a3: {  	v1 =	vld [tilespmem:s16+$0x5080];
	_ =	sdelay $0x4  }
0x2a4: {  	[tilespmem:s20+$0xD0] =	vst v1  }
0x2a5: {  	v1 =	vld [tilespmem:s14+$0x5080];
	_ =	sdelay $0x4  }
0x2a6: {  	[tilespmem:s20+$0xE0] =	vst v1  }
0x2a7: {  	v1 =	vld [tilespmem:s12+$0x5080];
	_ =	sdelay $0x4  }
0x2a8: {  	[tilespmem:s20+$0xF0] =	vst v1  }
0x2a9: {  	v1 =	vld [tilespmem:s19+$0x5100];
	_ =	sdelay $0x4  }
0x2aa: {  	[tilespmem:s20+$0x100] =	vst v1  }
0x2ab: {  	v1 =	vld [tilespmem:s18+$0x5100];
	_ =	sdelay $0x4  }
0x2ac: {  	[tilespmem:s20+$0x110] =	vst v1  }
0x2ad: {  	v1 =	vld [tilespmem:s11+$0x5100];
	_ =	sdelay $0x4  }
0x2ae: {  	[tilespmem:s20+$0x120] =	vst v1  }
0x2af: {  	v1 =	vld [tilespmem:s10+$0x5100];
	_ =	sdelay $0x4  }
0x2b0: {  	[tilespmem:s20+$0x130] =	vst v1  }
0x2b1: {  	v1 =	vld [tilespmem:s9+$0x5180];
	_ =	sdelay $0x4  }
0x2b2: {  	[tilespmem:s20+$0x140] =	vst v1  }
0x2b3: {  	v1 =	vld [tilespmem:s15+$0x5180];
	_ =	sdelay $0x4  }
0x2b4: {  	[tilespmem:s20+$0x150] =	vst v1  }
0x2b5: {  	v1 =	vld [tilespmem:s8+$0x5180];
	_ =	sdelay $0x4  }
0x2b6: {  	[tilespmem:s20+$0x160] =	vst v1  }
0x2b7: {  	v1 =	vld [tilespmem:s7+$0x5180];
	_ =	sdelay $0x4  }
0x2b8: {  	[tilespmem:s20+$0x170] =	vst v1  }
0x2b9: {  	v1 =	vld [tilespmem:s6+$0x5200];
	_ =	sdelay $0x4  }
0x2ba: {  	[tilespmem:s20+$0x180] =	vst v1  }
0x2bb: {  	v1 =	vld [tilespmem:s13+$0x5200];
	_ =	sdelay $0x4  }
0x2bc: {  	[tilespmem:s20+$0x190] =	vst v1  }
0x2bd: {  	v1 =	vld [tilespmem:s5+$0x5200];
	_ =	sdelay $0x4  }
0x2be: {  	[tilespmem:s20+$0x1A0] =	vst v1  }
0x2bf: {  	v1 =	vld [tilespmem:s26+$0x5200];
	_ =	sdelay $0x4  }
0x2c0: {  	[tilespmem:s20+$0x1B0] =	vst v1  }
0x2c1: {  	v1 =	vld [tilespmem:s4+$0x5280];
	_ =	sdelay $0x4  }
0x2c2: {  	[tilespmem:s20+$0x1C0] =	vst v1  }
0x2c3: {  	v1 =	vld [tilespmem:s2+$0x5280];
	_ =	sdelay $0x4  }
0x2c4: {  	[tilespmem:s20+$0x1D0] =	vst v1  }
0x2c5: {  	v1 =	vld [tilespmem:s1+$0x5280]  }
0x2c6: {  	p0 =	sne.s32 s21, $0x30000  }
.Ltmp1:
0x2c7: {  	_ = 	snop;
	(pc) =	sbr.rel @p0 .LBB2_5-.Ltmp1, $3  }
0x2c8: {  	_ =	sdelay $0x1  }
0x2c9: {  	[tilespmem:s20+$0x1E0] =	vst v1  }
0x2ca: {  	s21 =	sadd.s32 $0x2000, s21;
	v1 =	vld [tilespmem:s0+$0x5280]  }
0x2cb: {  	s3 =	rddreg [dreg:$0x14]  }
0x2cc: {  	s1 =	rddreg [dreg:$0x10];
	s0 =	smul.u32 $0xC8, s3  }
0x2cd: {  	s28 =	rddreg [dreg:$0x1]  }
0x2ce: {  	s29 =	simm.s32 $0x0;
	s3 =	sadd.s32 $0x1, s3;
	s0 =	sadd.s32 s1, s0  }
0x2cf: {  	s2 =	simm.s32 $0x11300;
	p0 =	sne.s32 s3, $0x10;
	s0 =	sshll.u32 s0, $0x4  }
.Ltmp2:
0x2d0: {  	s30 =	simm.s32 $0x2;
	[tilespmem:s20+$0x1F0] =	vst v1;
	s0 =	sadd.s32 s28, s0;
	(pc) =	sbr.rel @p0 .LBB2_4-.Ltmp2, $4  }
0x2d1: {  	[hbm4b:s0+s29] =	stream.linear.scatter [tilespmem:s2], [sflag:$0x2], $0x6400, $0x38;
	[tilespmem:$0x17700] =	vst v63  }
0x2d2: {  	_ =	swait.ge [sflag:s30], $0x6400  }
0x2d3: {  	[sflag:s30] =	ssyncset.done $0x0;
	s31 =	rddreg [dreg:$0x15]  }
0x2d4: {  	[sflag:s30] =	ssyncadd.s32 $0xFFFF9C00;
	s31 =	sadd.s32 $0x190, s31  }
0x2d5: {  	s1 =	rddreg [dreg:$0x13]  }
0x2d6: {  	s0 =	rddreg [dreg:$0x12];
	s1 =	sadd.s32 $0x1, s1  }
0x2d7: {  	p0 =	sne.s32 s1, s0  }
.Ltmp3:
0x2d8: {  	_ = 	snop;
	(pc) =	sbr.rel @p0 .LBB2_1-.Ltmp3, $1  }
0x2d9: {  	_ =	sdelay $0x3  }
0x2da: {  	_ =	sfence.sel $0x180000  }
0x2db: {  	[bflag:$0x0] =	sbarrier.arrive $0xFFFF  }
0x2dc: {  	_ =	strace $0x90000047  }
0x2dd: {  	s0 =	stileid.u32;
	[bflag:$0x2] =	sbarrier.arrive $0xFFFF  }
0x2de: {  	p0 =	sne.s32 s0, $0x0;
	s0 =	rddreg [dreg:$0x2]  }
0x2df: {  	s0 =	sadd.s32 @!p0 $0x100000, s0  }
0x2e0: {  	[sflag:s0] =	ssyncadd.tile.s32 @!p0 $0x1;
	_ =	shalt  }
.Lfunc_end2:
_tile_overlayer_lowered:
.L_overlay_start_2:
0x2e1: {  	(tag) =	ssettag $0x2  }
0x2e2: {  	s0 =	rddreg [dreg:$0x0];
	s2 =	stileid.u32  }
0x2e3: {  	s1 =	rddreg [dreg:$0x1];
	p0 =	sne.s32 s2, $0x0  }
0x2e4: {  	s3 =	rddreg [dreg:$0x2];
	[bflag:$0x3] =	sbarrier.arrive $0xFFFF;
	s2 =	simm.s32 @!p0 $0x1C02  }
0x2e5: {  	[timem:s3], [sflag:s2] =	dma.local @!p0 [hbm:s0], s1  }
0x2e6: {  	s0 =	simm.s32 @!p0 $0x2  }
0x2e7: {  	_ =	swait.ge @!p0 [sflag:s0], s1  }
0x2e8: {  	s1 =	ssub.s32 @!p0 $0x0, s1;
	[sflag:s0] =	ssyncset.done @!p0 $0x0  }
0x2e9: {  	[sflag:s0] =	ssyncadd.s32 @!p0 s1  }
0x2ea: {  	[bflag:$0x3] =	sbarrier.arrive $0xFFFF  }
0x2eb: {  	_ =	shalt  }

// kernel: sparse-core-data-format-call.cloned.1.call-start
scs
called_computation_lowered:
.L_overlay_start_0:
0x0: {  	s2 =	sld [smem:$0x3FD9]  }
0x1: {  	s3 =	sld [smem:$0x3FFE];
	_ =	sdelay $0x1  }
0x2: {  	s1 =	srdreg.scid  }
0x3: {  	s0 =	sand.u32 $0x1, s1  }
0x4: {  	s18 =	sshll.u32 s0, $0xA;
	s2 =	sadd.s32 s3, s2  }
0x5: {  	s2 =	sadd.s32 s2, s18  }
0x6: {  	[smem:$0x3FC6] =	sst s2  }
0x7: {  	_ = 	snop  }
0x8: {  	s2 =	sld [smem:$0x3FD0];
	(tm) =	ssettm $0x1  }
0x9: {  	s19 =	sld [smem:$0x3FFB];
	_ =	sdelay $0x3  }
0xa: {  	_ =	strace s19  }
0xb: {  	s3 =	sld [smem:$0x3FFC];
	_ =	sdelay $0x3  }
0xc: {  	_ =	strace s3  }
0xd: {  	s3 =	sld [smem:$0x3FFD];
	_ =	sdelay $0x3  }
0xe: {  	_ =	strace s3  }
0xf: {  	_ =	strace $0x8FFFFFFF  }
0x10: {  	s20 =	sld [smem:$0x3FDB];
	_ =	sdelay $0x1  }
0x11: {  	s4 =	simm.s32 $_scs_section_size  }
0x12: {  	s5 =	simm.s32 $_size__tile_overlayer_lowered;
	s6 =	simm.s32 $_tile_overlayer_lowered  }
0x13: {  	s23 =	simm.s32 $0x1BFF;
	s22 =	sshll.u32 s6, $0x1;
	s3 =	sadd.s32 s4, s20  }
0x14: {  	s7 =	simm.s32 $0x0;
	s21 =	sshll.u32 s5, $0x1;
	s5 =	sadd.s32 s22, s3  }
0x15: {  	[timem:s7], [sflag:s23] =	dma.local [hbm:s5], s21  }
0x16: {  	_ =	swait.ge [sflag:s23], s21  }
0x17: {  	s4 =	ssub.s32 $0x0, s21;
	[sflag:s23] =	ssyncset.done $0x0  }
0x18: {  	[sflag:s23] =	ssyncadd.s32 s4;
	_ =	sdelay $0x1  }
0x19: {  	s24 =	simm.s32 $0x1B8B  }
0x1a: {  	_ =	swait.ge [sflag:s24], $0x1  }
0x1b: {  	[sflag:s24] =	ssyncset.done $0x0  }
0x1c: {  	s26 =	simm.s32 $0x1B8E;
	s25 =	sld [smem:$0x3FFE];
	[sflag:s24] =	ssyncadd.s32 $0xFFFFFFFF  }
0x1d: {  	s27 =	simm.s32 $execute0_lowered;
	[smem:$0x3FD2] =	sst s26  }
0x1e: {  	s5 =	sshll.u32 s27, $0x1;
	_ =	strace $0x80000049;
	[dreg:$0x1] =	wrdreg $0xFFFFFFFF  }
0x1f: {  	s28 =	simm.s32 $_size_execute0_lowered;
	s3 =	sadd.s32 s3, s5;
	[dreg:$0x0] =	wrdreg $0x0  }
0x20: {  	s5 =	sshll.u32 s28, $0x1;
	[dreg:$0x2] =	wrdreg s3  }
0x21: {  	[dreg:$0x3] =	wrdreg s5  }
0x22: {  	[dreg:$0x4] =	wrdreg $0xC0  }
0x23: {  	_ =	task [dreg:s7], $0x5FFFF  }
0x24: {  	[dreg:$0x1] =	wrdreg $0xFFFFFFFF  }
0x25: {  	[dreg:$0x0] =	wrdreg $0x60  }
0x26: {  	[dreg:$0x2] =	wrdreg s25  }
0x27: {  	[dreg:$0x3] =	wrdreg s2  }
0x28: {  	[dreg:$0x4] =	wrdreg $0x9  }
0x29: {  	_ =	task.clear_ibuf [dreg:s7], $0x5FFFF;
	_ =	strace $0x90000049  }
0x2a: {  	s29 =	simm.s32 $0x9;
	_ =	strace $0x8000004B  }
0x2b: {  	_ =	swait.ge [sflag:s29], $0x1  }
0x2c: {  	[sflag:s29] =	ssyncadd.s32 $0xFFFFFFFF  }
0x2d: {  	_ =	strace $0x9000004B  }
0x2e: {  	_ =	sfence  }
0x2f: {  	s30 =	sld [smem:$0x0];
	_ =	sdelay $0x2  }
0x30: {  	s31 =	sshll.u32 s1, $0xD;
	s1 =	sshrl.u32 s1, $0x2  }
0x31: {  	s3 =	sand.u32 $0x4000, s31;
	s1 =	sadd.s32 s1, s30  }
0x32: {  	s0 =	sor.u32 s3, s0;
	s1 =	sshll.u32 s1, $0x11  }
0x33: {  	s0 =	sor.u32 s1, s0  }
0x34: {  	s0 =	sadd.s32 $0x8F2B, s0  }
0x35: {  	[sflag:s0] =	ssyncadd.remote.s32 $0x1  }
0x36: {  	_ =	sfence.sel $0xFFFF  }
0x37: {  	[dreg:$0x0] =	wrdreg $0xFFFFFFFF;
	(pc) =	sbr.abs _section_cstart, $3  }
0x38: {  	[dreg:$0x1] =	wrdreg $0xFFFFFFFF  }
0x39: {  	_ =	task.clear_ibuf [dreg:s7], $0x2FFFF;
	_ =	strace $0x9FFFFFFF  }
0x3a: {  	(tm) =	ssettm $0x7FFFFFFF  }
0x3b: {  	_ =	shalt  }
tec
execute0_lowered:
.L_overlay_start_1:
0x0: {  	(tag) =	ssettag $0x1  }
0x1: {  	s0 =	srdreg.scid  }
0x2: {  	s1 =	sshll.u32 s0, $0x4  }
0x3: {  	s0 =	stileid.u32;
	s1 =	sand.u32 $0x10, s1  }
0x4: {  	s1 =	sor.u32 s0, s1  }
0x5: {  	s6 =	rddreg [dreg:$0x0];
	s4 =	simm.s32 $0x1;
	s2 =	sshll.u32 s1, $0x7  }
0x6: {  	s7 =	simm.s32 $0x2;
	s12 =	simm.s32 $0x0;
	s1 =	ssub.s32 $0x1000, s2  }
0x7: {  	s8 =	simm.s32 $0x8000;
	s13 =	simm.s32 $0x0;
	s3 =	sand.u32 $0xF80, s1  }
0x8: {  	s9 =	simm.s32 $0x0;
	s5 =	sshrl.u32 s1, $0xC;
	p0 =	sne.s32 s3, $0x0  }
.Ltmp0:
0x9: {  	s1 =	rddreg [dreg:$0x2];
	s4 =	simm.s32 @!p0 $0x0;
	(pc) =	sbr.rel .LBB1_1-.Ltmp0, $4  }
0xa: {  	s11 =	simm.s32 $0x0;
	s3 =	rddreg [dreg:$0x1];
	s5 =	sadd.s32 s4, s5  }
0xb: {  	_ =	strace $0x8000004A;
	s4 =	simm.s32 $0x1;
	s5 =	smul.u32 $0x32, s5  }
0xc: {  	s6 =	sadd.s32 $0x800, s6;
	s10 =	smov.u32 s2;
	[sflag:s4] =	ssyncpa.u1 $0x0  }
0xd: {  	p0 =	por $0x0, $0x0;
	[sflag:s7] =	ssyncpa.u1 $0x0;
	s7 =	sor.u32 $0x1, s5  }
.LBB1_4:
0xe: {  	s16 =	sshll.u32 s13, $0x3;
	s17 =	sand.u32 $0x78, s13  }
0xf: {  	s30 =	sand.u32 $0x7E00, s13;
	s12 =	sshll.u32 s12, $0xF;
	s16 =	sand.u32 $0xC00, s16  }
0x10: {  	[tilespmem:s15+$0x810 ss:$0x81] =	vst.msk $0xffff, v2;
	s31 =	sand.u32 $0x7, s13;
	s16 =	sor.u32 s17, s16;
	s17 =	sadd.s32 s3, s30  }
0x11: {  	[tilespmem:s15+$0x1020 ss:$0x81] =	vst.msk $0xffff, v0;
	s13 =	sshll.u32 s31, $0x12;
	s12 =	sadd.s32 s12, s17;
	s16 =	sshrl.u32 s16, $0x3  }
0x12: {  	[tilespmem:s15+$0x0 ss:$0x81] =	vst.msk $0xffff, v1;
	s13 =	sor.u32 $0x400, s13;
	s12 =	sadd.s32 s16, s12  }
0x13: {  	[hbm4b:s12+s13] =	stream.strided.scatter [tilespmem:s14], [sflag:$0x2], $0x2000, s8, s13, $0x20;
	[tilespmem:$0x8080] =	vst v63  }
.LBB1_5:
0x14: {  	s14 =	sadd.s32 $0x1, s9  }
0x15: {  	s12 =	sadd.s32 $0x1000, s10;
	s16 =	smov.u32 s10;
	p2 =	sgt.s32 s14, $0x31  }
0x16: {  	s16 =	smov.u32 @p2 s12  }
0x17: {  	s14 =	simm.s32 @p2 $0x0;
	p2 =	sgt.s32 s16, $0xFFF  }
0x18: {  	s16 =	smov.u32 @p2 s2;
	p2 =	sne.s32 s11, s7  }
.Ltmp1:
0x19: {  	p1 =	slt.u32 s11, $0x2;
	(pc) =	sbr.rel @!p2 .LBB1_6-.Ltmp1, $4  }
0x1a: {  	s15 =	simm.s32 @!p1 $0x2  }
0x1b: {  	s13 =	smov.u32 s10;
	p0 =	por !p0, !p0;
	_ =	swait.ge @!p1 [sflag:s15], $0x2000  }
0x1c: {  	s12 =	smov.u32 s9;
	[sflag:s15] =	ssyncset.done @!p1 $0x0;
	s9 =	smov.u32 s14  }
0x1d: {  	s11 =	sadd.s32 $0x1, s11;
	[sflag:s15] =	ssyncadd.s32 @!p1 $0xFFFFE000;
	s10 =	smov.u32 s16  }
.LBB1_1:
0x1e: {  	p1 =	sge.u32 s11, s5  }
0x1f: {  	s14 =	sand.u32 @!p1 $0x1FFFFFF, s9  }
0x20: {  	s15 =	smulhi.u32 @!p1 $0x4924925, s14;
	_ =	sdelay $0x1  }
0x21: {  	s15 =	smul.u32 @!p1 $0x38, s15  }
0x22: {  	s16 =	sxor.u32 @!p1 $0xFFFFFFFF, s11;
	s17 =	smul.u32 @!p1 $0x380, s10  }
0x23: {  	s31 =	sadd.s32 $0xFFFFFFFF, s11;
	s16 =	sshll.u32 @!p1 s16, $0xD;
	s14 =	ssub.s32 @!p1 s14, s15  }
0x24: {  	s15 =	sand.u32 @!p1 $0x2000, s16;
	s16 =	sadd.s32 @!p1 s6, s17;
	s14 =	sshll.u32 @!p1 s14, $0x4  }
0x25: {  	s17 =	simm.s32 @!p1 $0x1C00;
	s14 =	sadd.s32 @!p1 s14, s16;
	s16 =	simm.s32 @!p1 $0x40  }
0x26: {  	[tilespmem:s15], [sflag:$0x1] =	stream.strided.gather @!p1 [hbm4b:s14+s16], $0x2000, s17, s16, $0x38;
	[tilespmem:$0x8080] =	vst v63  }
0x27: {  	p1 =	sge.u32 s31, s5  }
.Ltmp2:
0x28: {  	_ = 	snop;
	(pc) =	sbr.rel @p1 .LBB1_5-.Ltmp2, $1  }
0x29: {  	_ =	sdelay $0x3  }
0x2a: {  	s14 =	simm.s32 $0x1  }
0x2b: {  	_ =	swait.ge [sflag:s4], $0x2000;
	s14 =	simm.s32 @!p0 $0x0  }
0x2c: {  	[sflag:s4] =	ssyncset.done $0x0;
	s15 =	sshll.u32 s14, $0xD  }
0x2d: {  	[sflag:s4] =	ssyncadd.s32 $0xFFFFE000;
	s18 =	sor.u32 $0x20, s15  }
0x2e: {  	s14 =	smul.u32 $0x8100, s14;
	v3 =	vld [tilespmem:s18+$0x10]  }
0x2f: {  	s30 =	sand.u32 $0x1, s11;
	v2 =	vld [tilespmem:s18+$0xFFFFFFF0]  }
0x30: {  	s15 =	smul.u32 $0x8100, s30;
	s14 =	sshrl.u32 s14, $0x2;
	v0 =	vld [tilespmem:s18+$0x0]  }
0x31: {  	v1 =	vld [tilespmem:s18+$0xFFFFFFE0];
	s16 =	sor.u32 $0x4000, s14  }
0x32: {  	s31 =	sshrl.u32 s15, $0x2;
	s15 =	sadd.s32 $0x0, s16  }
0x33: {  	s17 =	simm.s32 $0x4;
	s18 =	sadd.s32 $0x40, s18;
	s14 =	sor.u32 $0x4000, s31;
	[tilespmem:s15+$0x1830 ss:$0x81] =	vst.msk $0xffff, v3  }
.LBB1_3:
0x34: {  	v3 =	vld [tilespmem:s18+$0x10];
	p1 =	sne.s32 s17, $0x1FC;
	[tilespmem:s15+$0x810 ss:$0x81] =	vst.msk $0xffff, v2;
	s19 =	smov.u32 s17;
	s17 =	sadd.s32 $0x4, s17  }
.Ltmp3:
0x35: {  	v2 =	vld [tilespmem:s18+$0xFFFFFFF0];
	[tilespmem:s15+$0x1020 ss:$0x81] =	vst.msk $0xffff, v0;
	(pc) =	sbr.rel @p1 .LBB1_3-.Ltmp3, $4  }
0x36: {  	v0 =	vld [tilespmem:s18+$0x0];
	[tilespmem:s15+$0x0 ss:$0x81] =	vst.msk $0xffff, v1  }
0x37: {  	s15 =	sshra.s32 s19, $0x2;
	v1 =	vld [tilespmem:s18+$0xFFFFFFE0]  }
0x38: {  	s15 =	sadd.s32 s15, s16  }
0x39: {  	s18 =	sadd.s32 $0x40, s18;
	[tilespmem:s15+$0x1830 ss:$0x81] =	vst.msk $0xffff, v3  }
.Ltmp4:
0x3a: {  	_ = 	snop;
	(pc) =	sbr.rel .LBB1_4-.Ltmp4, $1  }
0x3b: {  	_ =	sdelay $0x3  }
.LBB1_6:
0x3c: {  	_ =	sfence.sel $0x180000  }
0x3d: {  	s2 =	simm.s32 $0x1;
	[bflag:$0x0] =	sbarrier.arrive $0xFFFF  }
0x3e: {  	s31 =	simm.s32 $0x2;
	[sflag:s2] =	ssyncpa.u1 $0x1  }
0x3f: {  	[sflag:s31] =	ssyncpa.u1 $0x1  }
0x40: {  	p0 =	sne.s32 s0, $0x0;
	_ =	strace $0x9000004A  }
0x41: {  	s0 =	sadd.s32 @!p0 $0x100000, s1;
	[bflag:$0x2] =	sbarrier.arrive $0xFFFF  }
0x42: {  	[sflag:s0] =	ssyncadd.tile.s32 @!p0 $0x1;
	_ =	shalt  }
.Lfunc_end1:
_tile_overlayer_lowered:
.L_overlay_start_2:
0x43: {  	(tag) =	ssettag $0x2  }
0x44: {  	s0 =	rddreg [dreg:$0x0];
	s2 =	stileid.u32  }
0x45: {  	s1 =	rddreg [dreg:$0x1];
	p0 =	sne.s32 s2, $0x0  }
0x46: {  	s3 =	rddreg [dreg:$0x2];
	[bflag:$0x3] =	sbarrier.arrive $0xFFFF;
	s2 =	simm.s32 @!p0 $0x1C01  }
0x47: {  	[timem:s3], [sflag:s2] =	dma.local @!p0 [hbm:s0], s1  }
0x48: {  	s0 =	simm.s32 @!p0 $0x1  }
0x49: {  	_ =	swait.ge @!p0 [sflag:s0], s1  }
0x4a: {  	s1 =	ssub.s32 @!p0 $0x0, s1;
	[sflag:s0] =	ssyncset.done @!p0 $0x0  }
0x4b: {  	[sflag:s0] =	ssyncadd.s32 @!p0 s1  }
0x4c: {  	[bflag:$0x3] =	sbarrier.arrive $0xFFFF  }
0x4d: {  	_ =	shalt  }

</sc_bundles>
